<compile_context>
chip_gen: v7x
topology: tpu7x:2x2x1
jax: 0.10.2.dev20260603
libtpu: 0.0.44.dev20260713+nightly
codegen_flags: <defaults>
</compile_context>

<pallas_src>
import functools

import jax
import jax.numpy as jnp
from jax import lax
from jax.experimental import pallas as pl
from jax.experimental.pallas import tpu as pltpu
from jax.experimental.pallas import tpu_sc as plsc

_TOPK = 8
_NEG = -1e30
_BIGF = 1e9
_DT = 4096
_CHUNK = 256
_CPT = _DT // _CHUNK



def _stage1_body(qt, pe_ref, corpus_ref, scores_ref, cm_ref):
  d = pl.program_id(0)
  q = pl.program_id(1)
  w = cm_ref.shape[1]
  qs = pl.ds(q * qt, qt)

  s = lax.dot_general(pe_ref[qs, :], corpus_ref[...], (((1,), (1,)), ((), ())),
                      preferred_element_type=jnp.float32)
  for j in range(_CPT):
    scores_ref[j] = s[:, j * _CHUNK:(j + 1) * _CHUNK]

  lane = lax.broadcasted_iota(jnp.int32, (qt, w), 1)
  prev = jnp.where(d == 0, jnp.full((qt, w), _NEG, jnp.float32), cm_ref[qs, :])
  for j in range(_CPT):
    cj = jnp.max(s[:, j * _CHUNK:(j + 1) * _CHUNK], axis=1, keepdims=True)
    prev = jnp.where(lane == d * _CPT + j, cj, prev)
  cm_ref[qs, :] = prev


def _similarity_spill(pe_norm, corpus_pad):
  b, emb = pe_norm.shape
  ndocs_pad = corpus_pad.shape[0]
  qt = min(512, b)
  nchunk = ndocs_pad // _CHUNK
  w = (nchunk + 127) // 128 * 128
  grid = (ndocs_pad // _DT, b // qt)

  scores, cm = pl.pallas_call(
      functools.partial(_stage1_body, qt),
      grid=grid,
      in_specs=[
          pl.BlockSpec((b, emb), lambda d, q: (0, 0)),
          pl.BlockSpec((_DT, emb), lambda d, q: (d, 0)),
      ],
      out_specs=[
          pl.BlockSpec((_CPT, qt, _CHUNK), lambda d, q: (d, q, 0)),
          pl.BlockSpec((b, w), lambda d, q: (0, 0)),
      ],
      out_shape=[
          jax.ShapeDtypeStruct((nchunk, b, _CHUNK), jnp.float32),
          jax.ShapeDtypeStruct((b, w), jnp.float32),
      ],
      compiler_params=pltpu.CompilerParams(
          dimension_semantics=("arbitrary", "arbitrary")),
  )(pe_norm, corpus_pad)
  return scores, cm, nchunk



def _phaseb_body(ndocs, nchunk, cm_ref, rows_ref, base_ref):
  q = pl.program_id(0)
  bq, w = cm_ref.shape
  fp = -(-ndocs // _CHUNK)
  lane = lax.broadcasted_iota(jnp.int32, (bq, w), 1).astype(jnp.float32)
  cm = jnp.where(lane < fp, cm_ref[...], _NEG)
  rowi = (lax.broadcasted_iota(jnp.int32, (bq, _TOPK), 0).astype(jnp.float32)
          + q * bq)

  cids, vals = [], []
  for _ in range(_TOPK):
    m = jnp.max(cm, axis=1, keepdims=True)
    eq = cm == m
    cid = jnp.min(jnp.where(eq, lane, _BIGF), axis=1, keepdims=True)
    cids.append(cid)
    cm = jnp.where(lane == cid, _NEG, cm)
  cid8 = jnp.concatenate(cids, axis=1)
  rows_ref[...] = (cid8 * (bq * pl.num_programs(0)) + rowi).astype(jnp.int32)
  base_ref[...] = (cid8 * _CHUNK).astype(jnp.int32)


def _top_chunks(cm, ndocs, nchunk):
  b, w = cm.shape
  qt = min(512, b)
  return pl.pallas_call(
      functools.partial(_phaseb_body, ndocs, nchunk),
      grid=(b // qt,),
      in_specs=[pl.BlockSpec((qt, w), lambda q: (q, 0))],
      out_specs=[
          pl.BlockSpec((qt, _TOPK), lambda q: (q, 0)),
          pl.BlockSpec((qt, _TOPK), lambda q: (q, 0)),
      ],
      out_shape=[
          jax.ShapeDtypeStruct((b, _TOPK), jnp.int32),
          jax.ShapeDtypeStruct((b, _TOPK), jnp.int32),
      ],
  )(cm)



def _phased_body(ndocs, g_ref, base_ref, s8_ref, i8_ref):
  bq = g_ref.shape[0]
  kw = _TOPK * _CHUNK
  g = g_ref[...]
  basef = base_ref[...].astype(jnp.float32)
  offs = jnp.astype(
      lax.broadcasted_iota(jnp.int32, (bq, kw), 1) & (_CHUNK - 1),
      jnp.float32)
  baseexp = jnp.concatenate(
      [jnp.broadcast_to(basef[:, j:j + 1], (bq, _CHUNK))
       for j in range(_TOPK)], axis=1)
  gidx = baseexp + offs
  g = jnp.where(gidx < ndocs, g, _NEG)

  ss, ii = [], []
  for _ in range(_TOPK):
    m = jnp.max(g, axis=1, keepdims=True)
    eq = g == m
    gi = jnp.min(jnp.where(eq, gidx, _BIGF), axis=1, keepdims=True)
    ss.append(m)
    ii.append(gi)
    g = jnp.where(gidx == gi, _NEG, g)
  s8_ref[...] = jnp.concatenate(ss, axis=1)
  i8_ref[...] = jnp.concatenate(ii, axis=1).astype(jnp.int32)


def _top_docs(gathered, base, ndocs):
  b = gathered.shape[0]
  qt = min(512, b)
  kw = _TOPK * _CHUNK
  return pl.pallas_call(
      functools.partial(_phased_body, ndocs),
      grid=(b // qt,),
      in_specs=[
          pl.BlockSpec((qt, kw), lambda q: (q, 0)),
          pl.BlockSpec((qt, _TOPK), lambda q: (q, 0)),
      ],
      out_specs=[
          pl.BlockSpec((qt, _TOPK), lambda q: (q, 0)),
          pl.BlockSpec((qt, _TOPK), lambda q: (q, 0)),
      ],
      out_shape=[
          jax.ShapeDtypeStruct((b, _TOPK), jnp.float32),
          jax.ShapeDtypeStruct((b, _TOPK), jnp.int32),
      ],
  )(gathered, base)



def _sc_gather(table, idx):
  nrows, width = table.shape
  total = idx.shape[0]
  nw = 32
  b_per_w = total // nw
  ch = 128 if b_per_w % 128 == 0 else b_per_w
  nchunk = b_per_w // ch
  mesh = plsc.VectorSubcoreMesh(core_axis_name="c", subcore_axis_name="s")

  @functools.partial(
      pl.kernel,
      out_type=jax.ShapeDtypeStruct((total, width), jnp.float32),
      mesh=mesh,
      scratch_types=[
          pltpu.VMEM((ch,), jnp.int32),
          pltpu.VMEM((ch, width), jnp.float32),
          pltpu.SemaphoreType.DMA,
      ],
  )
  def gather_kernel(table_hbm, idx_hbm, out_hbm, idx_v, rows_v, sem):
    wid = lax.axis_index("s") * 2 + lax.axis_index("c")

    def body(j, carry):
      base = wid * b_per_w + j * ch
      pltpu.sync_copy(idx_hbm.at[pl.ds(base, ch)], idx_v)
      pltpu.async_copy(table_hbm.at[idx_v], rows_v, sem).wait()
      pltpu.sync_copy(rows_v, out_hbm.at[pl.ds(base, ch)])
      return carry

    lax.fori_loop(0, nchunk, body, 0)

  return gather_kernel(table, idx)



def _mlp_body(instr_ref, flat_ref, conf_ref,
              w1a_ref, w1b_ref, b1_ref, w2_ref, b2_ref,
              wsa_ref, wsb_ref, wsc_ref, bs1_ref,
              ws2_ref, bs2_ref, ws3_ref, bs3_ref,
              wiv_ref, biv_ref,
              out_ref, pt_ref, iv_ref):
  instr = instr_ref[...]
  flat = flat_ref[...]
  mm = lambda a, b: jnp.dot(a, b, preferred_element_type=jnp.float32)
  h = jnp.maximum(mm(instr, w1a_ref[...]) + mm(flat, w1b_ref[...])
                  + b1_ref[...], 0.0)
  pt = mm(h, w2_ref[...]) + b2_ref[...]
  h2 = jnp.maximum(mm(pt, wsa_ref[...]) + mm(conf_ref[...], wsb_ref[...])
                   + mm(flat, wsc_ref[...]) + bs1_ref[...], 0.0)
  h3 = jnp.maximum(mm(h2, ws2_ref[...]) + bs2_ref[...], 0.0)
  out_ref[...] = mm(h3, ws3_ref[...]) + bs3_ref[...]
  pt_ref[...] = pt
  iv_ref[...] = mm(instr, wiv_ref[...]) + biv_ref[...]


def _mlp(instruments, flat, confounders, weights):
  b = flat.shape[0]
  bt = min(512, b)
  fixed = lambda a: pl.BlockSpec(a.shape, lambda i: (0,) * a.ndim)
  row = lambda a: pl.BlockSpec((bt, a.shape[1]), lambda i: (i, 0))

  return pl.pallas_call(
      _mlp_body,
      grid=(b // bt,),
      in_specs=[row(instruments), row(flat), row(confounders)]
      + [fixed(w) for w in weights],
      out_specs=[
          pl.BlockSpec((bt, 1), lambda i: (i, 0)),
          pl.BlockSpec((bt, 2), lambda i: (i, 0)),
          pl.BlockSpec((bt, 2), lambda i: (i, 0)),
      ],
      out_shape=[
          jax.ShapeDtypeStruct((b, 1), jnp.float32),
          jax.ShapeDtypeStruct((b, 2), jnp.float32),
          jax.ShapeDtypeStruct((b, 2), jnp.float32),
      ],
  )(instruments, flat, confounders, *weights)



def kernel(patient, treatment, confounders, corpus_embeddings,
           W_pe, b_pe, W_fs1, b_fs1, W_fs2, b_fs2,
           W_ss1, b_ss1, W_ss2, b_ss2, W_ss3, b_ss3,
           W_iv, b_iv, instruments):
  b = patient.shape[0]
  ndocs, emb = corpus_embeddings.shape
  k = _TOPK
  instr_d = instruments.shape[1]
  conf_d = confounders.shape[1]

  pe = patient @ W_pe.T + b_pe
  pe = pe / jnp.clip(jnp.sqrt(jnp.sum(pe * pe, axis=1, keepdims=True)), 1e-12)
  ndocs_pad = (ndocs + _DT - 1) // _DT * _DT
  cpad = jnp.pad(corpus_embeddings, ((0, ndocs_pad - ndocs), (0, 0)))
  cn = cpad / jnp.clip(
      jnp.sqrt(jnp.sum(cpad * cpad, axis=1, keepdims=True)), 1e-12)

  scores, cm, nchunk = _similarity_spill(pe, cn)
  rows, base = _top_chunks(cm, ndocs, nchunk)
  cand = _sc_gather(scores.reshape(nchunk * b, _CHUNK), rows.reshape(-1))
  scores8, idx8 = _top_docs(cand.reshape(b, k * _CHUNK), base, ndocs)

  flat = _sc_gather(corpus_embeddings, idx8.reshape(-1)).reshape(b, k * emb)

  weights = (
      W_fs1[:, :instr_d].T, W_fs1[:, instr_d:].T, b_fs1.reshape(1, -1),
      W_fs2.T, b_fs2.reshape(1, -1),
      W_ss1[:, :2].T, W_ss1[:, 2:2 + conf_d].T, W_ss1[:, 2 + conf_d:].T,
      b_ss1.reshape(1, -1),
      W_ss2.T, b_ss2.reshape(1, -1), W_ss3.T, b_ss3.reshape(1, -1),
      W_iv.T, b_iv.reshape(1, -1),
  )
  outcome, pt, iv = _mlp(instruments, flat, confounders, weights)

  return (outcome, scores8, idx8, pt, instruments, iv)

# --- scband reference (transcript-rebuilt; emitter-appended) ---
"""Pipeline reference for scband-ivrag-78520592105863 (READ-ONLY COPY).

The authoritative reference and input builder live on the scoring server;
editing this copy changes nothing except your own understanding.
"""

import jax, jax.numpy as jnp
import numpy as np

B = 4096; NDOCS = 100000; EMB = 128; CONF = 64; TREAT = 2; OUT = 1; HID = 512; TOPK = 8; INSTR = 20


def _normalize(x, axis):
    n = jnp.sqrt(jnp.sum(x * x, axis=axis, keepdims=True))
    return x / jnp.clip(n, 1e-12)


def setup_inputs(seed: int = 0) -> dict:
    key = jax.random.key(seed)
    ks = jax.random.split(key, 16)

    def lin(k, out_d, in_d):
        k1, k2 = jax.random.split(k)
        lim = 1.0 / np.sqrt(in_d)
        W = jax.random.uniform(k1, (out_d, in_d), minval=-lim, maxval=lim, dtype=jnp.float32)
        b = jax.random.uniform(k2, (out_d,), minval=-lim, maxval=lim, dtype=jnp.float32)
        return W, b

    W_pe, b_pe = lin(ks[0], EMB, CONF + TREAT)
    W_fs1, b_fs1 = lin(ks[1], HID, INSTR + EMB * TOPK)
    W_fs2, b_fs2 = lin(ks[2], TREAT, HID)
    W_ss1, b_ss1 = lin(ks[3], HID, TREAT + CONF + EMB * TOPK)
    W_ss2, b_ss2 = lin(ks[4], HID // 2, HID)
    W_ss3, b_ss3 = lin(ks[5], OUT, HID // 2)
    W_iv, b_iv = lin(ks[6], TREAT, INSTR)

    patient = jax.random.normal(ks[7], (B, CONF + TREAT), dtype=jnp.float32)
    treatment = jax.random.normal(ks[8], (B, TREAT), dtype=jnp.float32)
    confounders = jax.random.normal(ks[9], (B, CONF), dtype=jnp.float32)
    corpus_embeddings = jax.random.normal(ks[10], (NDOCS, EMB), dtype=jnp.float32)
    # torch forward draws instruments with torch.randn; materialized here for determinism
    instruments = jax.random.normal(ks[11], (B, INSTR), dtype=jnp.float32)

    return {
        'patient': patient, 'treatment': treatment, 'confounders': confounders,
        'corpus_embeddings': corpus_embeddings,
        'W_pe': W_pe, 'b_pe': b_pe,
        'W_fs1': W_fs1, 'b_fs1': b_fs1, 'W_fs2': W_fs2, 'b_fs2': b_fs2,
        'W_ss1': W_ss1, 'b_ss1': b_ss1, 'W_ss2': W_ss2, 'b_ss2': b_ss2,
        'W_ss3': W_ss3, 'b_ss3': b_ss3, 'W_iv': W_iv, 'b_iv': b_iv,
        'instruments': instruments,
    }


def reference(patient, treatment, confounders, corpus_embeddings,
              W_pe, b_pe, W_fs1, b_fs1, W_fs2, b_fs2,
              W_ss1, b_ss1, W_ss2, b_ss2, W_ss3, b_ss3,
              W_iv, b_iv, instruments):
    # retrieve_documents
    patient_emb = patient @ W_pe.T + b_pe
    patient_emb = _normalize(patient_emb, 1)
    corpus_emb = _normalize(corpus_embeddings, 1)
    similarity = patient_emb @ corpus_emb.T
    retrieval_scores, retrieval_indices = jax.lax.top_k(similarity, TOPK)
    retrieved_embeddings = jnp.take(corpus_embeddings, retrieval_indices, axis=0)  # [B, k, emb]

    bsz = patient.shape[0]
    flattened_retrieval = retrieved_embeddings.reshape(bsz, -1)

    # first stage
    fs_in = jnp.concatenate([instruments, flattened_retrieval], axis=1)
    h = jax.nn.relu(fs_in @ W_fs1.T + b_fs1)
    predicted_treatment = h @ W_fs2.T + b_fs2

    # second stage
    ss_in = jnp.concatenate([predicted_treatment, confounders, flattened_retrieval], axis=1)
    h2 = jax.nn.relu(ss_in @ W_ss1.T + b_ss1)
    h3 = jax.nn.relu(h2 @ W_ss2.T + b_ss2)
    outcome = h3 @ W_ss3.T + b_ss3

    iv_strength = instruments @ W_iv.T + b_iv

    return (outcome, retrieval_scores, retrieval_indices, predicted_treatment, instruments, iv_strength)

if __name__ == "__main__":
    import jax
    _d = setup_inputs()
    print(jax.jit(kernel)(*tuple(_d.values())))

</pallas_src>

<mosaic_0001>
#map = affine_map<(d0, d1) -> (0, 0)>
#map1 = affine_map<(d0, d1) -> (0)>
module attributes {stable_mosaic.version = 14 : i64} {
  func.func @gather_kernel(%arg0: i32, %arg1: i32, %arg2: memref<1638400x256xf32, #tpu.memory_space<hbm>>, %arg3: memref<32768xi32, #tpu.memory_space<hbm>>, %arg4: memref<32768x256xf32, #tpu.memory_space<hbm>>, %arg5: memref<128xi32, #tpu.memory_space<vmem>>, %arg6: memref<128x256xf32, #tpu.memory_space<vmem>>, %arg7: memref<!tpu.dma_semaphore, #tpu.memory_space<semaphore_mem>>) attributes {dimension_semantics = [#tpu.dimension_semantics<core_parallel>, #tpu.dimension_semantics<subcore_parallel>], iteration_bounds = array<i64: 2, 16>, scalar_prefetch = 0 : i64, scratch_operands = 3 : i64, tpu.core_type = #tpu.core_type<sc_vector_subcore>, window_params = [{transform_indices = #map}, {transform_indices = #map1}, {transform_indices = #map}]} {
    %mul3A = arith.constant 2 : i32
    %mul3A_0 = arith.muli %arg1, %mul3A : i32
    %add3A = arith.addi %mul3A_0, %arg0 : i32
    %scan3A = arith.constant 0 : i32
    %scan3A_1 = arith.constant 0 : i32
    %scan3A_2 = arith.constant 8 : i32
    %scan3A_3 = arith.addi %scan3A_1, %scan3A_2 : i32
    %scan3A_4 = arith.constant 1 : i32
    scf.for %scan3A_6 = %scan3A_1 to %scan3A_3 step %scan3A_4  : i32 {
      %mul3A_7 = arith.constant 1024 : i32
      %mul3A_8 = arith.muli %add3A, %mul3A_7 : i32
      %mul3A_9 = arith.constant 128 : i32
      %mul3A_10 = arith.muli %scan3A_6, %mul3A_9 : i32
      %add3A_11 = arith.addi %mul3A_8, %mul3A_10 : i32
      "tpu.region"() ({
        %run_scoped3A = tpu.sem_alloc : memref<!tpu.dma_semaphore, #tpu.memory_space<semaphore_mem>>
        %dma_start3A_16 = tpu.memref_slice %arg3[%add3A_11] : memref<32768xi32, #tpu.memory_space<hbm>> -> memref<128xi32, #tpu.memory_space<hbm>>
        %dma_start3A_17 = tpu.memref_slice %arg3[%add3A_11] : memref<32768xi32, #tpu.memory_space<hbm>> -> memref<128xi32, #tpu.memory_space<hbm>>
        tpu.enqueue_dma source(%dma_start3A_17 : memref<128xi32, #tpu.memory_space<hbm>>) target(%arg5 : memref<128xi32, #tpu.memory_space<vmem>>) target_semaphore(%run_scoped3A : memref<!tpu.dma_semaphore, #tpu.memory_space<semaphore_mem>>)
        %dma_wait3A_18 = tpu.memref_slice %arg3[%add3A_11] : memref<32768xi32, #tpu.memory_space<hbm>> -> memref<128xi32, #tpu.memory_space<hbm>>
        %dma_wait3A_19 = tpu.memref_slice %arg3[%add3A_11] : memref<32768xi32, #tpu.memory_space<hbm>> -> memref<128xi32, #tpu.memory_space<hbm>>
        tpu.wait_dma2 semaphore(%run_scoped3A : memref<!tpu.dma_semaphore, #tpu.memory_space<semaphore_mem>>) src(%dma_wait3A_19 : memref<128xi32, #tpu.memory_space<hbm>>) dst(%arg5 : memref<128xi32, #tpu.memory_space<vmem>>)
        tpu.yield
      }) : () -> ()
      %dma_start3A = arith.constant 0 : i32
      %dma_start3A_12 = arith.constant 0 : i32
      %dma_start3A_13 = tpu.memref_slice %arg2[%dma_start3A, %dma_start3A_12] : memref<1638400x256xf32, #tpu.memory_space<hbm>> -> memref<1638400x256xf32, #tpu.memory_space<hbm>>
      tpu.enqueue_indirect_dma source(%dma_start3A_13 : memref<1638400x256xf32, #tpu.memory_space<hbm>>) target(%arg6 : memref<128x256xf32, #tpu.memory_space<vmem>>) offsets(%arg5 : memref<128xi32, #tpu.memory_space<vmem>>) semaphore(%arg7 : memref<!tpu.dma_semaphore, #tpu.memory_space<semaphore_mem>>)
      %dma_wait3A = arith.constant 0 : i32
      %dma_wait3A_14 = arith.constant 0 : i32
      %dma_wait3A_15 = tpu.memref_slice %arg2[%dma_wait3A, %dma_wait3A_14] : memref<1638400x256xf32, #tpu.memory_space<hbm>> -> memref<1638400x256xf32, #tpu.memory_space<hbm>>
      tpu.wait_indirect_dma semaphore(%arg7 : memref<!tpu.dma_semaphore, #tpu.memory_space<semaphore_mem>>) src(%dma_wait3A_15 : memref<1638400x256xf32, #tpu.memory_space<hbm>>) dst(%arg6 : memref<128x256xf32, #tpu.memory_space<vmem>>)
      "tpu.region"() ({
        %run_scoped3A = tpu.sem_alloc : memref<!tpu.dma_semaphore, #tpu.memory_space<semaphore_mem>>
        %dma_start3A_16 = arith.constant 0 : i32
        %dma_start3A_17 = tpu.memref_slice %arg4[%add3A_11, %dma_start3A_16] : memref<32768x256xf32, #tpu.memory_space<hbm>> -> memref<128x256xf32, #tpu.memory_space<hbm>>
        %dma_start3A_18 = arith.constant 0 : i32
        %dma_start3A_19 = tpu.memref_slice %arg4[%add3A_11, %dma_start3A_18] : memref<32768x256xf32, #tpu.memory_space<hbm>> -> memref<128x256xf32, #tpu.memory_space<hbm>>
        tpu.enqueue_dma source(%arg6 : memref<128x256xf32, #tpu.memory_space<vmem>>) target(%dma_start3A_19 : memref<128x256xf32, #tpu.memory_space<hbm>>) target_semaphore(%run_scoped3A : memref<!tpu.dma_semaphore, #tpu.memory_space<semaphore_mem>>)
        %dma_wait3A_20 = arith.constant 0 : i32
        %dma_wait3A_21 = tpu.memref_slice %arg4[%add3A_11, %dma_wait3A_20] : memref<32768x256xf32, #tpu.memory_space<hbm>> -> memref<128x256xf32, #tpu.memory_space<hbm>>
        %dma_wait3A_22 = arith.constant 0 : i32
        %dma_wait3A_23 = tpu.memref_slice %arg4[%add3A_11, %dma_wait3A_22] : memref<32768x256xf32, #tpu.memory_space<hbm>> -> memref<128x256xf32, #tpu.memory_space<hbm>>
        tpu.wait_dma2 semaphore(%run_scoped3A : memref<!tpu.dma_semaphore, #tpu.memory_space<semaphore_mem>>) src(%arg6 : memref<128x256xf32, #tpu.memory_space<vmem>>) dst(%dma_wait3A_23 : memref<128x256xf32, #tpu.memory_space<hbm>>)
        tpu.yield
      }) : () -> ()
    }
    %scan3A_5 = arith.constant 8 : i32
    return
  }
}

#map = affine_map<(d0, d1) -> (0, 0)>
#map1 = affine_map<(d0, d1) -> (0)>
module attributes {stable_mosaic.version = 14 : i64} {
  func.func @gather_kernel(%arg0: i32, %arg1: i32, %arg2: memref<100000x128xf32, #tpu.memory_space<hbm>>, %arg3: memref<32768xi32, #tpu.memory_space<hbm>>, %arg4: memref<32768x128xf32, #tpu.memory_space<hbm>>, %arg5: memref<128xi32, #tpu.memory_space<vmem>>, %arg6: memref<128x128xf32, #tpu.memory_space<vmem>>, %arg7: memref<!tpu.dma_semaphore, #tpu.memory_space<semaphore_mem>>) attributes {dimension_semantics = [#tpu.dimension_semantics<core_parallel>, #tpu.dimension_semantics<subcore_parallel>], iteration_bounds = array<i64: 2, 16>, scalar_prefetch = 0 : i64, scratch_operands = 3 : i64, tpu.core_type = #tpu.core_type<sc_vector_subcore>, window_params = [{transform_indices = #map}, {transform_indices = #map1}, {transform_indices = #map}]} {
    %mul3A = arith.constant 2 : i32
    %mul3A_0 = arith.muli %arg1, %mul3A : i32
    %add3A = arith.addi %mul3A_0, %arg0 : i32
    %scan3A = arith.constant 0 : i32
    %scan3A_1 = arith.constant 0 : i32
    %scan3A_2 = arith.constant 8 : i32
    %scan3A_3 = arith.addi %scan3A_1, %scan3A_2 : i32
    %scan3A_4 = arith.constant 1 : i32
    scf.for %scan3A_6 = %scan3A_1 to %scan3A_3 step %scan3A_4  : i32 {
      %mul3A_7 = arith.constant 1024 : i32
      %mul3A_8 = arith.muli %add3A, %mul3A_7 : i32
      %mul3A_9 = arith.constant 128 : i32
      %mul3A_10 = arith.muli %scan3A_6, %mul3A_9 : i32
      %add3A_11 = arith.addi %mul3A_8, %mul3A_10 : i32
      "tpu.region"() ({
        %run_scoped3A = tpu.sem_alloc : memref<!tpu.dma_semaphore, #tpu.memory_space<semaphore_mem>>
        %dma_start3A_16 = tpu.memref_slice %arg3[%add3A_11] : memref<32768xi32, #tpu.memory_space<hbm>> -> memref<128xi32, #tpu.memory_space<hbm>>
        %dma_start3A_17 = tpu.memref_slice %arg3[%add3A_11] : memref<32768xi32, #tpu.memory_space<hbm>> -> memref<128xi32, #tpu.memory_space<hbm>>
        tpu.enqueue_dma source(%dma_start3A_17 : memref<128xi32, #tpu.memory_space<hbm>>) target(%arg5 : memref<128xi32, #tpu.memory_space<vmem>>) target_semaphore(%run_scoped3A : memref<!tpu.dma_semaphore, #tpu.memory_space<semaphore_mem>>)
        %dma_wait3A_18 = tpu.memref_slice %arg3[%add3A_11] : memref<32768xi32, #tpu.memory_space<hbm>> -> memref<128xi32, #tpu.memory_space<hbm>>
        %dma_wait3A_19 = tpu.memref_slice %arg3[%add3A_11] : memref<32768xi32, #tpu.memory_space<hbm>> -> memref<128xi32, #tpu.memory_space<hbm>>
        tpu.wait_dma2 semaphore(%run_scoped3A : memref<!tpu.dma_semaphore, #tpu.memory_space<semaphore_mem>>) src(%dma_wait3A_19 : memref<128xi32, #tpu.memory_space<hbm>>) dst(%arg5 : memref<128xi32, #tpu.memory_space<vmem>>)
        tpu.yield
      }) : () -> ()
      %dma_start3A = arith.constant 0 : i32
      %dma_start3A_12 = arith.constant 0 : i32
      %dma_start3A_13 = tpu.memref_slice %arg2[%dma_start3A, %dma_start3A_12] : memref<100000x128xf32, #tpu.memory_space<hbm>> -> memref<100000x128xf32, #tpu.memory_space<hbm>>
      tpu.enqueue_indirect_dma source(%dma_start3A_13 : memref<100000x128xf32, #tpu.memory_space<hbm>>) target(%arg6 : memref<128x128xf32, #tpu.memory_space<vmem>>) offsets(%arg5 : memref<128xi32, #tpu.memory_space<vmem>>) semaphore(%arg7 : memref<!tpu.dma_semaphore, #tpu.memory_space<semaphore_mem>>)
      %dma_wait3A = arith.constant 0 : i32
      %dma_wait3A_14 = arith.constant 0 : i32
      %dma_wait3A_15 = tpu.memref_slice %arg2[%dma_wait3A, %dma_wait3A_14] : memref<100000x128xf32, #tpu.memory_space<hbm>> -> memref<100000x128xf32, #tpu.memory_space<hbm>>
      tpu.wait_indirect_dma semaphore(%arg7 : memref<!tpu.dma_semaphore, #tpu.memory_space<semaphore_mem>>) src(%dma_wait3A_15 : memref<100000x128xf32, #tpu.memory_space<hbm>>) dst(%arg6 : memref<128x128xf32, #tpu.memory_space<vmem>>)
      "tpu.region"() ({
        %run_scoped3A = tpu.sem_alloc : memref<!tpu.dma_semaphore, #tpu.memory_space<semaphore_mem>>
        %dma_start3A_16 = arith.constant 0 : i32
        %dma_start3A_17 = tpu.memref_slice %arg4[%add3A_11, %dma_start3A_16] : memref<32768x128xf32, #tpu.memory_space<hbm>> -> memref<128x128xf32, #tpu.memory_space<hbm>>
        %dma_start3A_18 = arith.constant 0 : i32
        %dma_start3A_19 = tpu.memref_slice %arg4[%add3A_11, %dma_start3A_18] : memref<32768x128xf32, #tpu.memory_space<hbm>> -> memref<128x128xf32, #tpu.memory_space<hbm>>
        tpu.enqueue_dma source(%arg6 : memref<128x128xf32, #tpu.memory_space<vmem>>) target(%dma_start3A_19 : memref<128x128xf32, #tpu.memory_space<hbm>>) target_semaphore(%run_scoped3A : memref<!tpu.dma_semaphore, #tpu.memory_space<semaphore_mem>>)
        %dma_wait3A_20 = arith.constant 0 : i32
        %dma_wait3A_21 = tpu.memref_slice %arg4[%add3A_11, %dma_wait3A_20] : memref<32768x128xf32, #tpu.memory_space<hbm>> -> memref<128x128xf32, #tpu.memory_space<hbm>>
        %dma_wait3A_22 = arith.constant 0 : i32
        %dma_wait3A_23 = tpu.memref_slice %arg4[%add3A_11, %dma_wait3A_22] : memref<32768x128xf32, #tpu.memory_space<hbm>> -> memref<128x128xf32, #tpu.memory_space<hbm>>
        tpu.wait_dma2 semaphore(%run_scoped3A : memref<!tpu.dma_semaphore, #tpu.memory_space<semaphore_mem>>) src(%arg6 : memref<128x128xf32, #tpu.memory_space<vmem>>) dst(%dma_wait3A_23 : memref<128x128xf32, #tpu.memory_space<hbm>>)
        tpu.yield
      }) : () -> ()
    }
    %scan3A_5 = arith.constant 8 : i32
    return
  }
}

module attributes {stable_mosaic.version = 14 : i64} {
  func.func @_stage1_body(%arg0: i32, %arg1: i32, %arg2: memref<4096x128xf32, #tpu.memory_space<vmem>>, %arg3: memref<4096x128xf32, #tpu.memory_space<vmem>>, %arg4: memref<16x512x256xf32, #tpu.memory_space<vmem>>, %arg5: memref<4096x512xf32, #tpu.memory_space<vmem>>) attributes {dimension_semantics = [#tpu.dimension_semantics<arbitrary>, #tpu.dimension_semantics<arbitrary>], iteration_bounds = array<i64: 25, 8>, scalar_prefetch = 0 : i64, scratch_operands = 0 : i64, tpu.core_type = #tpu.core_type<tc>, window_params = [{pipeline_mode = #tpu.pipeline_mode<synchronous>, transform_indices = @transform_0, window_bounds = array<i64: 4096, 128>}, {transform_indices = @transform_1, window_bounds = array<i64: 4096, 128>}, {transform_indices = @transform_2, window_bounds = array<i64: 16, 512, 256>}, {pipeline_mode = #tpu.pipeline_mode<synchronous>, transform_indices = @transform_3, window_bounds = array<i64: 4096, 512>}]} {
    %mul3A = arith.constant 512 : i32
    %mul3A_0 = arith.muli %arg1, %mul3A : i32
    %get3A = arith.index_cast %mul3A_0 : i32 to index
    %get3A_1 = arith.constant 0 : index
    %get3A_2 = vector.load %arg2[%get3A, %get3A_1] : memref<4096x128xf32, #tpu.memory_space<vmem>>, vector<512x128xf32>
    %get3A_3 = arith.constant 0 : index
    %get3A_4 = arith.constant 0 : index
    %get3A_5 = vector.load %arg3[%get3A_3, %get3A_4] : memref<4096x128xf32, #tpu.memory_space<vmem>>, vector<4096x128xf32>
    %dot_general3A = arith.constant dense<0.000000e+00> : vector<512x4096xf32>
    %dot_general3A_6 = tpu.matmul %get3A_2, %get3A_5, %dot_general3A {dimension_numbers = #tpu.dot_dimension_numbers<[1], [1], [0], [0], [0, 0, 1, 0], [], []>, transpose_lhs_hint = false} : vector<512x128xf32>, vector<4096x128xf32>, vector<512x4096xf32> -> vector<512x4096xf32>
    %slice3A = vector.extract_strided_slice %dot_general3A_6 {offsets = [0, 0], sizes = [512, 256], strides = [1, 1]} : vector<512x4096xf32> to vector<512x256xf32>
    %swap3A = arith.constant 0 : index
    %swap3A_7 = arith.constant 0 : index
    %swap3A_8 = arith.constant 0 : index
    %swap3A_9 = vector.load %arg4[%swap3A, %swap3A_7, %swap3A_8] : memref<16x512x256xf32, #tpu.memory_space<vmem>>, vector<1x512x256xf32>
    %swap3A_10 = vector.shape_cast %swap3A_9 : vector<1x512x256xf32> to vector<512x256xf32>
    %swap3A_11 = vector.shape_cast %slice3A : vector<512x256xf32> to vector<1x512x256xf32>
    tpu.vector_store %arg4[%swap3A, %swap3A_7, %swap3A_8], %swap3A_11 {strides = array<i32>} : memref<16x512x256xf32, #tpu.memory_space<vmem>>, vector<1x512x256xf32>,
    %slice3A_12 = vector.extract_strided_slice %dot_general3A_6 {offsets = [0, 256], sizes = [512, 256], strides = [1, 1]} : vector<512x4096xf32> to vector<512x256xf32>
    %swap3A_13 = arith.constant 1 : index
    %swap3A_14 = arith.constant 0 : index
    %swap3A_15 = arith.constant 0 : index
    %swap3A_16 = vector.load %arg4[%swap3A_13, %swap3A_14, %swap3A_15] : memref<16x512x256xf32, #tpu.memory_space<vmem>>, vector<1x512x256xf32>
    %swap3A_17 = vector.shape_cast %swap3A_16 : vector<1x512x256xf32> to vector<512x256xf32>
    %swap3A_18 = vector.shape_cast %slice3A_12 : vector<512x256xf32> to vector<1x512x256xf32>
    tpu.vector_store %arg4[%swap3A_13, %swap3A_14, %swap3A_15], %swap3A_18 {strides = array<i32>} : memref<16x512x256xf32, #tpu.memory_space<vmem>>, vector<1x512x256xf32>,
    %slice3A_19 = vector.extract_strided_slice %dot_general3A_6 {offsets = [0, 512], sizes = [512, 256], strides = [1, 1]} : vector<512x4096xf32> to vector<512x256xf32>
    %swap3A_20 = arith.constant 2 : index
    %swap3A_21 = arith.constant 0 : index
    %swap3A_22 = arith.constant 0 : index
    %swap3A_23 = vector.load %arg4[%swap3A_20, %swap3A_21, %swap3A_22] : memref<16x512x256xf32, #tpu.memory_space<vmem>>, vector<1x512x256xf32>
    %swap3A_24 = vector.shape_cast %swap3A_23 : vector<1x512x256xf32> to vector<512x256xf32>
    %swap3A_25 = vector.shape_cast %slice3A_19 : vector<512x256xf32> to vector<1x512x256xf32>
    tpu.vector_store %arg4[%swap3A_20, %swap3A_21, %swap3A_22], %swap3A_25 {strides = array<i32>} : memref<16x512x256xf32, #tpu.memory_space<vmem>>, vector<1x512x256xf32>,
    %slice3A_26 = vector.extract_strided_slice %dot_general3A_6 {offsets = [0, 768], sizes = [512, 256], strides = [1, 1]} : vector<512x4096xf32> to vector<512x256xf32>
    %swap3A_27 = arith.constant 3 : index
    %swap3A_28 = arith.constant 0 : index
    %swap3A_29 = arith.constant 0 : index
    %swap3A_30 = vector.load %arg4[%swap3A_27, %swap3A_28, %swap3A_29] : memref<16x512x256xf32, #tpu.memory_space<vmem>>, vector<1x512x256xf32>
    %swap3A_31 = vector.shape_cast %swap3A_30 : vector<1x512x256xf32> to vector<512x256xf32>
    %swap3A_32 = vector.shape_cast %slice3A_26 : vector<512x256xf32> to vector<1x512x256xf32>
    tpu.vector_store %arg4[%swap3A_27, %swap3A_28, %swap3A_29], %swap3A_32 {strides = array<i32>} : memref<16x512x256xf32, #tpu.memory_space<vmem>>, vector<1x512x256xf32>,
    %slice3A_33 = vector.extract_strided_slice %dot_general3A_6 {offsets = [0, 1024], sizes = [512, 256], strides = [1, 1]} : vector<512x4096xf32> to vector<512x256xf32>
    %swap3A_34 = arith.constant 4 : index
    %swap3A_35 = arith.constant 0 : index
    %swap3A_36 = arith.constant 0 : index
    %swap3A_37 = vector.load %arg4[%swap3A_34, %swap3A_35, %swap3A_36] : memref<16x512x256xf32, #tpu.memory_space<vmem>>, vector<1x512x256xf32>
    %swap3A_38 = vector.shape_cast %swap3A_37 : vector<1x512x256xf32> to vector<512x256xf32>
    %swap3A_39 = vector.shape_cast %slice3A_33 : vector<512x256xf32> to vector<1x512x256xf32>
    tpu.vector_store %arg4[%swap3A_34, %swap3A_35, %swap3A_36], %swap3A_39 {strides = array<i32>} : memref<16x512x256xf32, #tpu.memory_space<vmem>>, vector<1x512x256xf32>,
    %slice3A_40 = vector.extract_strided_slice %dot_general3A_6 {offsets = [0, 1280], sizes = [512, 256], strides = [1, 1]} : vector<512x4096xf32> to vector<512x256xf32>
    %swap3A_41 = arith.constant 5 : index
    %swap3A_42 = arith.constant 0 : index
    %swap3A_43 = arith.constant 0 : index
    %swap3A_44 = vector.load %arg4[%swap3A_41, %swap3A_42, %swap3A_43] : memref<16x512x256xf32, #tpu.memory_space<vmem>>, vector<1x512x256xf32>
    %swap3A_45 = vector.shape_cast %swap3A_44 : vector<1x512x256xf32> to vector<512x256xf32>
    %swap3A_46 = vector.shape_cast %slice3A_40 : vector<512x256xf32> to vector<1x512x256xf32>
    tpu.vector_store %arg4[%swap3A_41, %swap3A_42, %swap3A_43], %swap3A_46 {strides = array<i32>} : memref<16x512x256xf32, #tpu.memory_space<vmem>>, vector<1x512x256xf32>,
    %slice3A_47 = vector.extract_strided_slice %dot_general3A_6 {offsets = [0, 1536], sizes = [512, 256], strides = [1, 1]} : vector<512x4096xf32> to vector<512x256xf32>
    %swap3A_48 = arith.constant 6 : index
    %swap3A_49 = arith.constant 0 : index
    %swap3A_50 = arith.constant 0 : index
    %swap3A_51 = vector.load %arg4[%swap3A_48, %swap3A_49, %swap3A_50] : memref<16x512x256xf32, #tpu.memory_space<vmem>>, vector<1x512x256xf32>
    %swap3A_52 = vector.shape_cast %swap3A_51 : vector<1x512x256xf32> to vector<512x256xf32>
    %swap3A_53 = vector.shape_cast %slice3A_47 : vector<512x256xf32> to vector<1x512x256xf32>
    tpu.vector_store %arg4[%swap3A_48, %swap3A_49, %swap3A_50], %swap3A_53 {strides = array<i32>} : memref<16x512x256xf32, #tpu.memory_space<vmem>>, vector<1x512x256xf32>,
    %slice3A_54 = vector.extract_strided_slice %dot_general3A_6 {offsets = [0, 1792], sizes = [512, 256], strides = [1, 1]} : vector<512x4096xf32> to vector<512x256xf32>
    %swap3A_55 = arith.constant 7 : index
    %swap3A_56 = arith.constant 0 : index
    %swap3A_57 = arith.constant 0 : index
    %swap3A_58 = vector.load %arg4[%swap3A_55, %swap3A_56, %swap3A_57] : memref<16x512x256xf32, #tpu.memory_space<vmem>>, vector<1x512x256xf32>
    %swap3A_59 = vector.shape_cast %swap3A_58 : vector<1x512x256xf32> to vector<512x256xf32>
    %swap3A_60 = vector.shape_cast %slice3A_54 : vector<512x256xf32> to vector<1x512x256xf32>
    tpu.vector_store %arg4[%swap3A_55, %swap3A_56, %swap3A_57], %swap3A_60 {strides = array<i32>} : memref<16x512x256xf32, #tpu.memory_space<vmem>>, vector<1x512x256xf32>,
    %slice3A_61 = vector.extract_strided_slice %dot_general3A_6 {offsets = [0, 2048], sizes = [512, 256], strides = [1, 1]} : vector<512x4096xf32> to vector<512x256xf32>
    %swap3A_62 = arith.constant 8 : index
    %swap3A_63 = arith.constant 0 : index
    %swap3A_64 = arith.constant 0 : index
    %swap3A_65 = vector.load %arg4[%swap3A_62, %swap3A_63, %swap3A_64] : memref<16x512x256xf32, #tpu.memory_space<vmem>>, vector<1x512x256xf32>
    %swap3A_66 = vector.shape_cast %swap3A_65 : vector<1x512x256xf32> to vector<512x256xf32>
    %swap3A_67 = vector.shape_cast %slice3A_61 : vector<512x256xf32> to vector<1x512x256xf32>
    tpu.vector_store %arg4[%swap3A_62, %swap3A_63, %swap3A_64], %swap3A_67 {strides = array<i32>} : memref<16x512x256xf32, #tpu.memory_space<vmem>>, vector<1x512x256xf32>,
    %slice3A_68 = vector.extract_strided_slice %dot_general3A_6 {offsets = [0, 2304], sizes = [512, 256], strides = [1, 1]} : vector<512x4096xf32> to vector<512x256xf32>
    %swap3A_69 = arith.constant 9 : index
    %swap3A_70 = arith.constant 0 : index
    %swap3A_71 = arith.constant 0 : index
    %swap3A_72 = vector.load %arg4[%swap3A_69, %swap3A_70, %swap3A_71] : memref<16x512x256xf32, #tpu.memory_space<vmem>>, vector<1x512x256xf32>
    %swap3A_73 = vector.shape_cast %swap3A_72 : vector<1x512x256xf32> to vector<512x256xf32>
    %swap3A_74 = vector.shape_cast %slice3A_68 : vector<512x256xf32> to vector<1x512x256xf32>
    tpu.vector_store %arg4[%swap3A_69, %swap3A_70, %swap3A_71], %swap3A_74 {strides = array<i32>} : memref<16x512x256xf32, #tpu.memory_space<vmem>>, vector<1x512x256xf32>,
    %slice3A_75 = vector.extract_strided_slice %dot_general3A_6 {offsets = [0, 2560], sizes = [512, 256], strides = [1, 1]} : vector<512x4096xf32> to vector<512x256xf32>
    %swap3A_76 = arith.constant 10 : index
    %swap3A_77 = arith.constant 0 : index
    %swap3A_78 = arith.constant 0 : index
    %swap3A_79 = vector.load %arg4[%swap3A_76, %swap3A_77, %swap3A_78] : memref<16x512x256xf32, #tpu.memory_space<vmem>>, vector<1x512x256xf32>
    %swap3A_80 = vector.shape_cast %swap3A_79 : vector<1x512x256xf32> to vector<512x256xf32>
    %swap3A_81 = vector.shape_cast %slice3A_75 : vector<512x256xf32> to vector<1x512x256xf32>
    tpu.vector_store %arg4[%swap3A_76, %swap3A_77, %swap3A_78], %swap3A_81 {strides = array<i32>} : memref<16x512x256xf32, #tpu.memory_space<vmem>>, vector<1x512x256xf32>,
    %slice3A_82 = vector.extract_strided_slice %dot_general3A_6 {offsets = [0, 2816], sizes = [512, 256], strides = [1, 1]} : vector<512x4096xf32> to vector<512x256xf32>
    %swap3A_83 = arith.constant 11 : index
    %swap3A_84 = arith.constant 0 : index
    %swap3A_85 = arith.constant 0 : index
    %swap3A_86 = vector.load %arg4[%swap3A_83, %swap3A_84, %swap3A_85] : memref<16x512x256xf32, #tpu.memory_space<vmem>>, vector<1x512x256xf32>
    %swap3A_87 = vector.shape_cast %swap3A_86 : vector<1x512x256xf32> to vector<512x256xf32>
    %swap3A_88 = vector.shape_cast %slice3A_82 : vector<512x256xf32> to vector<1x512x256xf32>
    tpu.vector_store %arg4[%swap3A_83, %swap3A_84, %swap3A_85], %swap3A_88 {strides = array<i32>} : memref<16x512x256xf32, #tpu.memory_space<vmem>>, vector<1x512x256xf32>,
    %slice3A_89 = vector.extract_strided_slice %dot_general3A_6 {offsets = [0, 3072], sizes = [512, 256], strides = [1, 1]} : vector<512x4096xf32> to vector<512x256xf32>
    %swap3A_90 = arith.constant 12 : index
    %swap3A_91 = arith.constant 0 : index
    %swap3A_92 = arith.constant 0 : index
    %swap3A_93 = vector.load %arg4[%swap3A_90, %swap3A_91, %swap3A_92] : memref<16x512x256xf32, #tpu.memory_space<vmem>>, vector<1x512x256xf32>
    %swap3A_94 = vector.shape_cast %swap3A_93 : vector<1x512x256xf32> to vector<512x256xf32>
    %swap3A_95 = vector.shape_cast %slice3A_89 : vector<512x256xf32> to vector<1x512x256xf32>
    tpu.vector_store %arg4[%swap3A_90, %swap3A_91, %swap3A_92], %swap3A_95 {strides = array<i32>} : memref<16x512x256xf32, #tpu.memory_space<vmem>>, vector<1x512x256xf32>,
    %slice3A_96 = vector.extract_strided_slice %dot_general3A_6 {offsets = [0, 3328], sizes = [512, 256], strides = [1, 1]} : vector<512x4096xf32> to vector<512x256xf32>
    %swap3A_97 = arith.constant 13 : index
    %swap3A_98 = arith.constant 0 : index
    %swap3A_99 = arith.constant 0 : index
    %swap3A_100 = vector.load %arg4[%swap3A_97, %swap3A_98, %swap3A_99] : memref<16x512x256xf32, #tpu.memory_space<vmem>>, vector<1x512x256xf32>
    %swap3A_101 = vector.shape_cast %swap3A_100 : vector<1x512x256xf32> to vector<512x256xf32>
    %swap3A_102 = vector.shape_cast %slice3A_96 : vector<512x256xf32> to vector<1x512x256xf32>
    tpu.vector_store %arg4[%swap3A_97, %swap3A_98, %swap3A_99], %swap3A_102 {strides = array<i32>} : memref<16x512x256xf32, #tpu.memory_space<vmem>>, vector<1x512x256xf32>,
    %slice3A_103 = vector.extract_strided_slice %dot_general3A_6 {offsets = [0, 3584], sizes = [512, 256], strides = [1, 1]} : vector<512x4096xf32> to vector<512x256xf32>
    %swap3A_104 = arith.constant 14 : index
    %swap3A_105 = arith.constant 0 : index
    %swap3A_106 = arith.constant 0 : index
    %swap3A_107 = vector.load %arg4[%swap3A_104, %swap3A_105, %swap3A_106] : memref<16x512x256xf32, #tpu.memory_space<vmem>>, vector<1x512x256xf32>
    %swap3A_108 = vector.shape_cast %swap3A_107 : vector<1x512x256xf32> to vector<512x256xf32>
    %swap3A_109 = vector.shape_cast %slice3A_103 : vector<512x256xf32> to vector<1x512x256xf32>
    tpu.vector_store %arg4[%swap3A_104, %swap3A_105, %swap3A_106], %swap3A_109 {strides = array<i32>} : memref<16x512x256xf32, #tpu.memory_space<vmem>>, vector<1x512x256xf32>,
    %slice3A_110 = vector.extract_strided_slice %dot_general3A_6 {offsets = [0, 3840], sizes = [512, 256], strides = [1, 1]} : vector<512x4096xf32> to vector<512x256xf32>
    %swap3A_111 = arith.constant 15 : index
    %swap3A_112 = arith.constant 0 : index
    %swap3A_113 = arith.constant 0 : index
    %swap3A_114 = vector.load %arg4[%swap3A_111, %swap3A_112, %swap3A_113] : memref<16x512x256xf32, #tpu.memory_space<vmem>>, vector<1x512x256xf32>
    %swap3A_115 = vector.shape_cast %swap3A_114 : vector<1x512x256xf32> to vector<512x256xf32>
    %swap3A_116 = vector.shape_cast %slice3A_110 : vector<512x256xf32> to vector<1x512x256xf32>
    tpu.vector_store %arg4[%swap3A_111, %swap3A_112, %swap3A_113], %swap3A_116 {strides = array<i32>} : memref<16x512x256xf32, #tpu.memory_space<vmem>>, vector<1x512x256xf32>,
    %iota3A = tpu.iota {dimensions = array<i32: 1>} : vector<512x512xi32>
    %eq3A = arith.constant 0 : i32
    %eq3A_117 = arith.cmpi eq, %arg0, %eq3A : i32
    %broadcast_in_dim3A = arith.constant -1.000000e+30 : f32
    %broadcast_in_dim3A_118 = vector.broadcast %broadcast_in_dim3A : f32 to vector<512x512xf32>
    %get3A_119 = arith.index_cast %mul3A_0 : i32 to index
    %get3A_120 = arith.constant 0 : index
    %get3A_121 = vector.load %arg5[%get3A_119, %get3A_120] : memref<4096x512xf32, #tpu.memory_space<vmem>>, vector<512x512xf32>
    %select_n3A = arith.select %eq3A_117, %broadcast_in_dim3A_118, %get3A_121 : vector<512x512xf32>
    %slice3A_122 = vector.extract_strided_slice %dot_general3A_6 {offsets = [0, 0], sizes = [512, 256], strides = [1, 1]} : vector<512x4096xf32> to vector<512x256xf32>
    %reduce_max3A = arith.constant dense<0xFF800000> : vector<512xf32>
    %reduce_max3A_123 = vector.multi_reduction <maximumf>, %slice3A_122, %reduce_max3A [1] : vector<512x256xf32> to vector<512xf32>
    %broadcast_in_dim3A_124 = vector.shape_cast %reduce_max3A_123 : vector<512xf32> to vector<512x1xf32>
    %mul3A_125 = arith.constant 16 : i32
    %mul3A_126 = arith.muli %arg0, %mul3A_125 : i32
    %add3A = arith.constant 0 : i32
    %add3A_127 = arith.addi %mul3A_126, %add3A : i32
    %eq3A_128 = vector.broadcast %add3A_127 : i32 to vector<512x512xi32>
    %eq3A_129 = arith.cmpi eq, %iota3A, %eq3A_128 : vector<512x512xi32>
    %broadcast_in_dim3A_130 = vector.shape_cast %broadcast_in_dim3A_124 : vector<512x1xf32> to vector<512x1xf32>
    %broadcast_in_dim3A_131 = vector.broadcast %broadcast_in_dim3A_130 : vector<512x1xf32> to vector<512x512xf32>
    %select_n3A_132 = arith.select %eq3A_129, %broadcast_in_dim3A_131, %select_n3A : vector<512x512xi1>, vector<512x512xf32>
    %slice3A_133 = vector.extract_strided_slice %dot_general3A_6 {offsets = [0, 256], sizes = [512, 256], strides = [1, 1]} : vector<512x4096xf32> to vector<512x256xf32>
    %reduce_max3A_134 = arith.constant dense<0xFF800000> : vector<512xf32>
    %reduce_max3A_135 = vector.multi_reduction <maximumf>, %slice3A_133, %reduce_max3A_134 [1] : vector<512x256xf32> to vector<512xf32>
    %broadcast_in_dim3A_136 = vector.shape_cast %reduce_max3A_135 : vector<512xf32> to vector<512x1xf32>
    %mul3A_137 = arith.constant 16 : i32
    %mul3A_138 = arith.muli %arg0, %mul3A_137 : i32
    %add3A_139 = arith.constant 1 : i32
    %add3A_140 = arith.addi %mul3A_138, %add3A_139 : i32
    %eq3A_141 = vector.broadcast %add3A_140 : i32 to vector<512x512xi32>
    %eq3A_142 = arith.cmpi eq, %iota3A, %eq3A_141 : vector<512x512xi32>
    %broadcast_in_dim3A_143 = vector.shape_cast %broadcast_in_dim3A_136 : vector<512x1xf32> to vector<512x1xf32>
    %broadcast_in_dim3A_144 = vector.broadcast %broadcast_in_dim3A_143 : vector<512x1xf32> to vector<512x512xf32>
    %select_n3A_145 = arith.select %eq3A_142, %broadcast_in_dim3A_144, %select_n3A_132 : vector<512x512xi1>, vector<512x512xf32>
    %slice3A_146 = vector.extract_strided_slice %dot_general3A_6 {offsets = [0, 512], sizes = [512, 256], strides = [1, 1]} : vector<512x4096xf32> to vector<512x256xf32>
    %reduce_max3A_147 = arith.constant dense<0xFF800000> : vector<512xf32>
    %reduce_max3A_148 = vector.multi_reduction <maximumf>, %slice3A_146, %reduce_max3A_147 [1] : vector<512x256xf32> to vector<512xf32>
    %broadcast_in_dim3A_149 = vector.shape_cast %reduce_max3A_148 : vector<512xf32> to vector<512x1xf32>
    %mul3A_150 = arith.constant 16 : i32
    %mul3A_151 = arith.muli %arg0, %mul3A_150 : i32
    %add3A_152 = arith.constant 2 : i32
    %add3A_153 = arith.addi %mul3A_151, %add3A_152 : i32
    %eq3A_154 = vector.broadcast %add3A_153 : i32 to vector<512x512xi32>
    %eq3A_155 = arith.cmpi eq, %iota3A, %eq3A_154 : vector<512x512xi32>
    %broadcast_in_dim3A_156 = vector.shape_cast %broadcast_in_dim3A_149 : vector<512x1xf32> to vector<512x1xf32>
    %broadcast_in_dim3A_157 = vector.broadcast %broadcast_in_dim3A_156 : vector<512x1xf32> to vector<512x512xf32>
    %select_n3A_158 = arith.select %eq3A_155, %broadcast_in_dim3A_157, %select_n3A_145 : vector<512x512xi1>, vector<512x512xf32>
    %slice3A_159 = vector.extract_strided_slice %dot_general3A_6 {offsets = [0, 768], sizes = [512, 256], strides = [1, 1]} : vector<512x4096xf32> to vector<512x256xf32>
    %reduce_max3A_160 = arith.constant dense<0xFF800000> : vector<512xf32>
    %reduce_max3A_161 = vector.multi_reduction <maximumf>, %slice3A_159, %reduce_max3A_160 [1] : vector<512x256xf32> to vector<512xf32>
    %broadcast_in_dim3A_162 = vector.shape_cast %reduce_max3A_161 : vector<512xf32> to vector<512x1xf32>
    %mul3A_163 = arith.constant 16 : i32
    %mul3A_164 = arith.muli %arg0, %mul3A_163 : i32
    %add3A_165 = arith.constant 3 : i32
    %add3A_166 = arith.addi %mul3A_164, %add3A_165 : i32
    %eq3A_167 = vector.broadcast %add3A_166 : i32 to vector<512x512xi32>
    %eq3A_168 = arith.cmpi eq, %iota3A, %eq3A_167 : vector<512x512xi32>
    %broadcast_in_dim3A_169 = vector.shape_cast %broadcast_in_dim3A_162 : vector<512x1xf32> to vector<512x1xf32>
    %broadcast_in_dim3A_170 = vector.broadcast %broadcast_in_dim3A_169 : vector<512x1xf32> to vector<512x512xf32>
    %select_n3A_171 = arith.select %eq3A_168, %broadcast_in_dim3A_170, %select_n3A_158 : vector<512x512xi1>, vector<512x512xf32>
    %slice3A_172 = vector.extract_strided_slice %dot_general3A_6 {offsets = [0, 1024], sizes = [512, 256], strides = [1, 1]} : vector<512x4096xf32> to vector<512x256xf32>
    %reduce_max3A_173 = arith.constant dense<0xFF800000> : vector<512xf32>
    %reduce_max3A_174 = vector.multi_reduction <maximumf>, %slice3A_172, %reduce_max3A_173 [1] : vector<512x256xf32> to vector<512xf32>
    %broadcast_in_dim3A_175 = vector.shape_cast %reduce_max3A_174 : vector<512xf32> to vector<512x1xf32>
    %mul3A_176 = arith.constant 16 : i32
    %mul3A_177 = arith.muli %arg0, %mul3A_176 : i32
    %add3A_178 = arith.constant 4 : i32
    %add3A_179 = arith.addi %mul3A_177, %add3A_178 : i32
    %eq3A_180 = vector.broadcast %add3A_179 : i32 to vector<512x512xi32>
    %eq3A_181 = arith.cmpi eq, %iota3A, %eq3A_180 : vector<512x512xi32>
    %broadcast_in_dim3A_182 = vector.shape_cast %broadcast_in_dim3A_175 : vector<512x1xf32> to vector<512x1xf32>
    %broadcast_in_dim3A_183 = vector.broadcast %broadcast_in_dim3A_182 : vector<512x1xf32> to vector<512x512xf32>
    %select_n3A_184 = arith.select %eq3A_181, %broadcast_in_dim3A_183, %select_n3A_171 : vector<512x512xi1>, vector<512x512xf32>
    %slice3A_185 = vector.extract_strided_slice %dot_general3A_6 {offsets = [0, 1280], sizes = [512, 256], strides = [1, 1]} : vector<512x4096xf32> to vector<512x256xf32>
    %reduce_max3A_186 = arith.constant dense<0xFF800000> : vector<512xf32>
    %reduce_max3A_187 = vector.multi_reduction <maximumf>, %slice3A_185, %reduce_max3A_186 [1] : vector<512x256xf32> to vector<512xf32>
    %broadcast_in_dim3A_188 = vector.shape_cast %reduce_max3A_187 : vector<512xf32> to vector<512x1xf32>
    %mul3A_189 = arith.constant 16 : i32
    %mul3A_190 = arith.muli %arg0, %mul3A_189 : i32
    %add3A_191 = arith.constant 5 : i32
    %add3A_192 = arith.addi %mul3A_190, %add3A_191 : i32
    %eq3A_193 = vector.broadcast %add3A_192 : i32 to vector<512x512xi32>
    %eq3A_194 = arith.cmpi eq, %iota3A, %eq3A_193 : vector<512x512xi32>
    %broadcast_in_dim3A_195 = vector.shape_cast %broadcast_in_dim3A_188 : vector<512x1xf32> to vector<512x1xf32>
    %broadcast_in_dim3A_196 = vector.broadcast %broadcast_in_dim3A_195 : vector<512x1xf32> to vector<512x512xf32>
    %select_n3A_197 = arith.select %eq3A_194, %broadcast_in_dim3A_196, %select_n3A_184 : vector<512x512xi1>, vector<512x512xf32>
    %slice3A_198 = vector.extract_strided_slice %dot_general3A_6 {offsets = [0, 1536], sizes = [512, 256], strides = [1, 1]} : vector<512x4096xf32> to vector<512x256xf32>
    %reduce_max3A_199 = arith.constant dense<0xFF800000> : vector<512xf32>
    %reduce_max3A_200 = vector.multi_reduction <maximumf>, %slice3A_198, %reduce_max3A_199 [1] : vector<512x256xf32> to vector<512xf32>
    %broadcast_in_dim3A_201 = vector.shape_cast %reduce_max3A_200 : vector<512xf32> to vector<512x1xf32>
    %mul3A_202 = arith.constant 16 : i32
    %mul3A_203 = arith.muli %arg0, %mul3A_202 : i32
    %add3A_204 = arith.constant 6 : i32
    %add3A_205 = arith.addi %mul3A_203, %add3A_204 : i32
    %eq3A_206 = vector.broadcast %add3A_205 : i32 to vector<512x512xi32>
    %eq3A_207 = arith.cmpi eq, %iota3A, %eq3A_206 : vector<512x512xi32>
    %broadcast_in_dim3A_208 = vector.shape_cast %broadcast_in_dim3A_201 : vector<512x1xf32> to vector<512x1xf32>
    %broadcast_in_dim3A_209 = vector.broadcast %broadcast_in_dim3A_208 : vector<512x1xf32> to vector<512x512xf32>
    %select_n3A_210 = arith.select %eq3A_207, %broadcast_in_dim3A_209, %select_n3A_197 : vector<512x512xi1>, vector<512x512xf32>
    %slice3A_211 = vector.extract_strided_slice %dot_general3A_6 {offsets = [0, 1792], sizes = [512, 256], strides = [1, 1]} : vector<512x4096xf32> to vector<512x256xf32>
    %reduce_max3A_212 = arith.constant dense<0xFF800000> : vector<512xf32>
    %reduce_max3A_213 = vector.multi_reduction <maximumf>, %slice3A_211, %reduce_max3A_212 [1] : vector<512x256xf32> to vector<512xf32>
    %broadcast_in_dim3A_214 = vector.shape_cast %reduce_max3A_213 : vector<512xf32> to vector<512x1xf32>
    %mul3A_215 = arith.constant 16 : i32
    %mul3A_216 = arith.muli %arg0, %mul3A_215 : i32
    %add3A_217 = arith.constant 7 : i32
    %add3A_218 = arith.addi %mul3A_216, %add3A_217 : i32
    %eq3A_219 = vector.broadcast %add3A_218 : i32 to vector<512x512xi32>
    %eq3A_220 = arith.cmpi eq, %iota3A, %eq3A_219 : vector<512x512xi32>
    %broadcast_in_dim3A_221 = vector.shape_cast %broadcast_in_dim3A_214 : vector<512x1xf32> to vector<512x1xf32>
    %broadcast_in_dim3A_222 = vector.broadcast %broadcast_in_dim3A_221 : vector<512x1xf32> to vector<512x512xf32>
    %select_n3A_223 = arith.select %eq3A_220, %broadcast_in_dim3A_222, %select_n3A_210 : vector<512x512xi1>, vector<512x512xf32>
    %slice3A_224 = vector.extract_strided_slice %dot_general3A_6 {offsets = [0, 2048], sizes = [512, 256], strides = [1, 1]} : vector<512x4096xf32> to vector<512x256xf32>
    %reduce_max3A_225 = arith.constant dense<0xFF800000> : vector<512xf32>
    %reduce_max3A_226 = vector.multi_reduction <maximumf>, %slice3A_224, %reduce_max3A_225 [1] : vector<512x256xf32> to vector<512xf32>
    %broadcast_in_dim3A_227 = vector.shape_cast %reduce_max3A_226 : vector<512xf32> to vector<512x1xf32>
    %mul3A_228 = arith.constant 16 : i32
    %mul3A_229 = arith.muli %arg0, %mul3A_228 : i32
    %add3A_230 = arith.constant 8 : i32
    %add3A_231 = arith.addi %mul3A_229, %add3A_230 : i32
    %eq3A_232 = vector.broadcast %add3A_231 : i32 to vector<512x512xi32>
    %eq3A_233 = arith.cmpi eq, %iota3A, %eq3A_232 : vector<512x512xi32>
    %broadcast_in_dim3A_234 = vector.shape_cast %broadcast_in_dim3A_227 : vector<512x1xf32> to vector<512x1xf32>
    %broadcast_in_dim3A_235 = vector.broadcast %broadcast_in_dim3A_234 : vector<512x1xf32> to vector<512x512xf32>
    %select_n3A_236 = arith.select %eq3A_233, %broadcast_in_dim3A_235, %select_n3A_223 : vector<512x512xi1>, vector<512x512xf32>
    %slice3A_237 = vector.extract_strided_slice %dot_general3A_6 {offsets = [0, 2304], sizes = [512, 256], strides = [1, 1]} : vector<512x4096xf32> to vector<512x256xf32>
    %reduce_max3A_238 = arith.constant dense<0xFF800000> : vector<512xf32>
    %reduce_max3A_239 = vector.multi_reduction <maximumf>, %slice3A_237, %reduce_max3A_238 [1] : vector<512x256xf32> to vector<512xf32>
    %broadcast_in_dim3A_240 = vector.shape_cast %reduce_max3A_239 : vector<512xf32> to vector<512x1xf32>
    %mul3A_241 = arith.constant 16 : i32
    %mul3A_242 = arith.muli %arg0, %mul3A_241 : i32
    %add3A_243 = arith.constant 9 : i32
    %add3A_244 = arith.addi %mul3A_242, %add3A_243 : i32
    %eq3A_245 = vector.broadcast %add3A_244 : i32 to vector<512x512xi32>
    %eq3A_246 = arith.cmpi eq, %iota3A, %eq3A_245 : vector<512x512xi32>
    %broadcast_in_dim3A_247 = vector.shape_cast %broadcast_in_dim3A_240 : vector<512x1xf32> to vector<512x1xf32>
    %broadcast_in_dim3A_248 = vector.broadcast %broadcast_in_dim3A_247 : vector<512x1xf32> to vector<512x512xf32>
    %select_n3A_249 = arith.select %eq3A_246, %broadcast_in_dim3A_248, %select_n3A_236 : vector<512x512xi1>, vector<512x512xf32>
    %slice3A_250 = vector.extract_strided_slice %dot_general3A_6 {offsets = [0, 2560], sizes = [512, 256], strides = [1, 1]} : vector<512x4096xf32> to vector<512x256xf32>
    %reduce_max3A_251 = arith.constant dense<0xFF800000> : vector<512xf32>
    %reduce_max3A_252 = vector.multi_reduction <maximumf>, %slice3A_250, %reduce_max3A_251 [1] : vector<512x256xf32> to vector<512xf32>
    %broadcast_in_dim3A_253 = vector.shape_cast %reduce_max3A_252 : vector<512xf32> to vector<512x1xf32>
    %mul3A_254 = arith.constant 16 : i32
    %mul3A_255 = arith.muli %arg0, %mul3A_254 : i32
    %add3A_256 = arith.constant 10 : i32
    %add3A_257 = arith.addi %mul3A_255, %add3A_256 : i32
    %eq3A_258 = vector.broadcast %add3A_257 : i32 to vector<512x512xi32>
    %eq3A_259 = arith.cmpi eq, %iota3A, %eq3A_258 : vector<512x512xi32>
    %broadcast_in_dim3A_260 = vector.shape_cast %broadcast_in_dim3A_253 : vector<512x1xf32> to vector<512x1xf32>
    %broadcast_in_dim3A_261 = vector.broadcast %broadcast_in_dim3A_260 : vector<512x1xf32> to vector<512x512xf32>
    %select_n3A_262 = arith.select %eq3A_259, %broadcast_in_dim3A_261, %select_n3A_249 : vector<512x512xi1>, vector<512x512xf32>
    %slice3A_263 = vector.extract_strided_slice %dot_general3A_6 {offsets = [0, 2816], sizes = [512, 256], strides = [1, 1]} : vector<512x4096xf32> to vector<512x256xf32>
    %reduce_max3A_264 = arith.constant dense<0xFF800000> : vector<512xf32>
    %reduce_max3A_265 = vector.multi_reduction <maximumf>, %slice3A_263, %reduce_max3A_264 [1] : vector<512x256xf32> to vector<512xf32>
    %broadcast_in_dim3A_266 = vector.shape_cast %reduce_max3A_265 : vector<512xf32> to vector<512x1xf32>
    %mul3A_267 = arith.constant 16 : i32
    %mul3A_268 = arith.muli %arg0, %mul3A_267 : i32
    %add3A_269 = arith.constant 11 : i32
    %add3A_270 = arith.addi %mul3A_268, %add3A_269 : i32
    %eq3A_271 = vector.broadcast %add3A_270 : i32 to vector<512x512xi32>
    %eq3A_272 = arith.cmpi eq, %iota3A, %eq3A_271 : vector<512x512xi32>
    %broadcast_in_dim3A_273 = vector.shape_cast %broadcast_in_dim3A_266 : vector<512x1xf32> to vector<512x1xf32>
    %broadcast_in_dim3A_274 = vector.broadcast %broadcast_in_dim3A_273 : vector<512x1xf32> to vector<512x512xf32>
    %select_n3A_275 = arith.select %eq3A_272, %broadcast_in_dim3A_274, %select_n3A_262 : vector<512x512xi1>, vector<512x512xf32>
    %slice3A_276 = vector.extract_strided_slice %dot_general3A_6 {offsets = [0, 3072], sizes = [512, 256], strides = [1, 1]} : vector<512x4096xf32> to vector<512x256xf32>
    %reduce_max3A_277 = arith.constant dense<0xFF800000> : vector<512xf32>
    %reduce_max3A_278 = vector.multi_reduction <maximumf>, %slice3A_276, %reduce_max3A_277 [1] : vector<512x256xf32> to vector<512xf32>
    %broadcast_in_dim3A_279 = vector.shape_cast %reduce_max3A_278 : vector<512xf32> to vector<512x1xf32>
    %mul3A_280 = arith.constant 16 : i32
    %mul3A_281 = arith.muli %arg0, %mul3A_280 : i32
    %add3A_282 = arith.constant 12 : i32
    %add3A_283 = arith.addi %mul3A_281, %add3A_282 : i32
    %eq3A_284 = vector.broadcast %add3A_283 : i32 to vector<512x512xi32>
    %eq3A_285 = arith.cmpi eq, %iota3A, %eq3A_284 : vector<512x512xi32>
    %broadcast_in_dim3A_286 = vector.shape_cast %broadcast_in_dim3A_279 : vector<512x1xf32> to vector<512x1xf32>
    %broadcast_in_dim3A_287 = vector.broadcast %broadcast_in_dim3A_286 : vector<512x1xf32> to vector<512x512xf32>
    %select_n3A_288 = arith.select %eq3A_285, %broadcast_in_dim3A_287, %select_n3A_275 : vector<512x512xi1>, vector<512x512xf32>
    %slice3A_289 = vector.extract_strided_slice %dot_general3A_6 {offsets = [0, 3328], sizes = [512, 256], strides = [1, 1]} : vector<512x4096xf32> to vector<512x256xf32>
    %reduce_max3A_290 = arith.constant dense<0xFF800000> : vector<512xf32>
    %reduce_max3A_291 = vector.multi_reduction <maximumf>, %slice3A_289, %reduce_max3A_290 [1] : vector<512x256xf32> to vector<512xf32>
    %broadcast_in_dim3A_292 = vector.shape_cast %reduce_max3A_291 : vector<512xf32> to vector<512x1xf32>
    %mul3A_293 = arith.constant 16 : i32
    %mul3A_294 = arith.muli %arg0, %mul3A_293 : i32
    %add3A_295 = arith.constant 13 : i32
    %add3A_296 = arith.addi %mul3A_294, %add3A_295 : i32
    %eq3A_297 = vector.broadcast %add3A_296 : i32 to vector<512x512xi32>
    %eq3A_298 = arith.cmpi eq, %iota3A, %eq3A_297 : vector<512x512xi32>
    %broadcast_in_dim3A_299 = vector.shape_cast %broadcast_in_dim3A_292 : vector<512x1xf32> to vector<512x1xf32>
    %broadcast_in_dim3A_300 = vector.broadcast %broadcast_in_dim3A_299 : vector<512x1xf32> to vector<512x512xf32>
    %select_n3A_301 = arith.select %eq3A_298, %broadcast_in_dim3A_300, %select_n3A_288 : vector<512x512xi1>, vector<512x512xf32>
    %slice3A_302 = vector.extract_strided_slice %dot_general3A_6 {offsets = [0, 3584], sizes = [512, 256], strides = [1, 1]} : vector<512x4096xf32> to vector<512x256xf32>
    %reduce_max3A_303 = arith.constant dense<0xFF800000> : vector<512xf32>
    %reduce_max3A_304 = vector.multi_reduction <maximumf>, %slice3A_302, %reduce_max3A_303 [1] : vector<512x256xf32> to vector<512xf32>
    %broadcast_in_dim3A_305 = vector.shape_cast %reduce_max3A_304 : vector<512xf32> to vector<512x1xf32>
    %mul3A_306 = arith.constant 16 : i32
    %mul3A_307 = arith.muli %arg0, %mul3A_306 : i32
    %add3A_308 = arith.constant 14 : i32
    %add3A_309 = arith.addi %mul3A_307, %add3A_308 : i32
    %eq3A_310 = vector.broadcast %add3A_309 : i32 to vector<512x512xi32>
    %eq3A_311 = arith.cmpi eq, %iota3A, %eq3A_310 : vector<512x512xi32>
    %broadcast_in_dim3A_312 = vector.shape_cast %broadcast_in_dim3A_305 : vector<512x1xf32> to vector<512x1xf32>
    %broadcast_in_dim3A_313 = vector.broadcast %broadcast_in_dim3A_312 : vector<512x1xf32> to vector<512x512xf32>
    %select_n3A_314 = arith.select %eq3A_311, %broadcast_in_dim3A_313, %select_n3A_301 : vector<512x512xi1>, vector<512x512xf32>
    %slice3A_315 = vector.extract_strided_slice %dot_general3A_6 {offsets = [0, 3840], sizes = [512, 256], strides = [1, 1]} : vector<512x4096xf32> to vector<512x256xf32>
    %reduce_max3A_316 = arith.constant dense<0xFF800000> : vector<512xf32>
    %reduce_max3A_317 = vector.multi_reduction <maximumf>, %slice3A_315, %reduce_max3A_316 [1] : vector<512x256xf32> to vector<512xf32>
    %broadcast_in_dim3A_318 = vector.shape_cast %reduce_max3A_317 : vector<512xf32> to vector<512x1xf32>
    %mul3A_319 = arith.constant 16 : i32
    %mul3A_320 = arith.muli %arg0, %mul3A_319 : i32
    %add3A_321 = arith.constant 15 : i32
    %add3A_322 = arith.addi %mul3A_320, %add3A_321 : i32
    %eq3A_323 = vector.broadcast %add3A_322 : i32 to vector<512x512xi32>
    %eq3A_324 = arith.cmpi eq, %iota3A, %eq3A_323 : vector<512x512xi32>
    %broadcast_in_dim3A_325 = vector.shape_cast %broadcast_in_dim3A_318 : vector<512x1xf32> to vector<512x1xf32>
    %broadcast_in_dim3A_326 = vector.broadcast %broadcast_in_dim3A_325 : vector<512x1xf32> to vector<512x512xf32>
    %select_n3A_327 = arith.select %eq3A_324, %broadcast_in_dim3A_326, %select_n3A_314 : vector<512x512xi1>, vector<512x512xf32>
    %swap3A_328 = arith.index_cast %mul3A_0 : i32 to index
    %swap3A_329 = arith.constant 0 : index
    %swap3A_330 = vector.load %arg5[%swap3A_328, %swap3A_329] : memref<4096x512xf32, #tpu.memory_space<vmem>>, vector<512x512xf32>
    tpu.vector_store %arg5[%swap3A_328, %swap3A_329], %select_n3A_327 {strides = array<i32>} : memref<4096x512xf32, #tpu.memory_space<vmem>>, vector<512x512xf32>,
    return
  }
  func.func @transform_0(%arg0: i32, %arg1: i32) -> (i32, i32) {
    %c0_i32 = arith.constant 0 : i32
    %c0_i32_0 = arith.constant 0 : i32
    %c0_i32_1 = arith.constant 0 : i32
    return %c0_i32, %c0_i32_0 : i32, i32
  }
  func.func @transform_1(%arg0: i32, %arg1: i32) -> (i32, i32) {
    %c0_i32 = arith.constant 0 : i32
    %c0_i32_0 = arith.constant 0 : i32
    return %arg0, %c0_i32 : i32, i32
  }
  func.func @transform_2(%arg0: i32, %arg1: i32) -> (i32, i32, i32) {
    %c0_i32 = arith.constant 0 : i32
    %c0_i32_0 = arith.constant 0 : i32
    return %arg0, %arg1, %c0_i32 : i32, i32, i32
  }
  func.func @transform_3(%arg0: i32, %arg1: i32) -> (i32, i32) {
    %c0_i32 = arith.constant 0 : i32
    %c0_i32_0 = arith.constant 0 : i32
    %c0_i32_1 = arith.constant 0 : i32
    return %c0_i32, %c0_i32_0 : i32, i32
  }
}

module attributes {stable_mosaic.version = 14 : i64} {
  func.func @_phaseb_body(%arg0: i32, %arg1: memref<512x512xf32, #tpu.memory_space<vmem>>, %arg2: memref<512x8xi32, #tpu.memory_space<vmem>>, %arg3: memref<512x8xi32, #tpu.memory_space<vmem>>) attributes {dimension_semantics = [#tpu.dimension_semantics<arbitrary>], iteration_bounds = array<i64: 8>, scalar_prefetch = 0 : i64, scratch_operands = 0 : i64, tpu.core_type = #tpu.core_type<tc>, window_params = [{transform_indices = @transform_0, window_bounds = array<i64: 512, 512>}, {transform_indices = @transform_1, window_bounds = array<i64: 512, 8>}, {transform_indices = @transform_2, window_bounds = array<i64: 512, 8>}]} {
    %iota3A = tpu.iota {dimensions = array<i32: 1>} : vector<512x512xi32>
    %convert_element_type3A = arith.sitofp %iota3A : vector<512x512xi32> to vector<512x512xf32>
    %lt3A = arith.constant 3.910000e+02 : f32
    %lt3A_0 = vector.broadcast %lt3A : f32 to vector<512x512xf32>
    %lt3A_1 = arith.cmpf olt, %convert_element_type3A, %lt3A_0 : vector<512x512xf32>
    %get3A = arith.constant 0 : index
    %get3A_2 = arith.constant 0 : index
    %get3A_3 = vector.load %arg1[%get3A, %get3A_2] : memref<512x512xf32, #tpu.memory_space<vmem>>, vector<512x512xf32>
    %jit3A = arith.constant -1.000000e+30 : f32
    %broadcast_in_dim3A = vector.broadcast %jit3A : f32 to vector<512x512xf32>
    %select_n3A = arith.select %lt3A_1, %get3A_3, %broadcast_in_dim3A : vector<512x512xi1>, vector<512x512xf32>
    %iota3A_4 = tpu.iota {dimensions = array<i32: 0>} : vector<512x8xi32>
    %convert_element_type3A_5 = arith.sitofp %iota3A_4 : vector<512x8xi32> to vector<512x8xf32>
    %mul3A = arith.constant 512 : i32
    %mul3A_6 = arith.muli %arg0, %mul3A : i32
    %convert_element_type3A_7 = arith.sitofp %mul3A_6 : i32 to f32
    %add3A = vector.broadcast %convert_element_type3A_7 : f32 to vector<512x8xf32>
    %add3A_8 = arith.addf %convert_element_type3A_5, %add3A : vector<512x8xf32>
    %reduce_max3A = arith.constant dense<0xFF800000> : vector<512xf32>
    %reduce_max3A_9 = vector.multi_reduction <maximumf>, %select_n3A, %reduce_max3A [1] : vector<512x512xf32> to vector<512xf32>
    %broadcast_in_dim3A_10 = vector.shape_cast %reduce_max3A_9 : vector<512xf32> to vector<512x1xf32>
    %eq3A = vector.broadcast %broadcast_in_dim3A_10 : vector<512x1xf32> to vector<512x512xf32>
    %eq3A_11 = arith.cmpf oeq, %select_n3A, %eq3A : vector<512x512xf32>
    %jit3A_12 = arith.constant 1.000000e+09 : f32
    %broadcast_in_dim3A_13 = vector.broadcast %jit3A_12 : f32 to vector<512x512xf32>
    %select_n3A_14 = arith.select %eq3A_11, %convert_element_type3A, %broadcast_in_dim3A_13 : vector<512x512xi1>, vector<512x512xf32>
    %reduce_min3A = arith.constant dense<0x7F800000> : vector<512xf32>
    %reduce_min3A_15 = vector.multi_reduction <minimumf>, %select_n3A_14, %reduce_min3A [1] : vector<512x512xf32> to vector<512xf32>
    %broadcast_in_dim3A_16 = vector.shape_cast %reduce_min3A_15 : vector<512xf32> to vector<512x1xf32>
    %eq3A_17 = vector.broadcast %broadcast_in_dim3A_16 : vector<512x1xf32> to vector<512x512xf32>
    %eq3A_18 = arith.cmpf oeq, %convert_element_type3A, %eq3A_17 : vector<512x512xf32>
    %jit3A_19 = arith.constant -1.000000e+30 : f32
    %broadcast_in_dim3A_20 = vector.broadcast %jit3A_19 : f32 to vector<512x512xf32>
    %select_n3A_21 = arith.select %eq3A_18, %broadcast_in_dim3A_20, %select_n3A : vector<512x512xi1>, vector<512x512xf32>
    %reduce_max3A_22 = arith.constant dense<0xFF800000> : vector<512xf32>
    %reduce_max3A_23 = vector.multi_reduction <maximumf>, %select_n3A_21, %reduce_max3A_22 [1] : vector<512x512xf32> to vector<512xf32>
    %broadcast_in_dim3A_24 = vector.shape_cast %reduce_max3A_23 : vector<512xf32> to vector<512x1xf32>
    %eq3A_25 = vector.broadcast %broadcast_in_dim3A_24 : vector<512x1xf32> to vector<512x512xf32>
    %eq3A_26 = arith.cmpf oeq, %select_n3A_21, %eq3A_25 : vector<512x512xf32>
    %jit3A_27 = arith.constant 1.000000e+09 : f32
    %broadcast_in_dim3A_28 = vector.broadcast %jit3A_27 : f32 to vector<512x512xf32>
    %select_n3A_29 = arith.select %eq3A_26, %convert_element_type3A, %broadcast_in_dim3A_28 : vector<512x512xi1>, vector<512x512xf32>
    %reduce_min3A_30 = arith.constant dense<0x7F800000> : vector<512xf32>
    %reduce_min3A_31 = vector.multi_reduction <minimumf>, %select_n3A_29, %reduce_min3A_30 [1] : vector<512x512xf32> to vector<512xf32>
    %broadcast_in_dim3A_32 = vector.shape_cast %reduce_min3A_31 : vector<512xf32> to vector<512x1xf32>
    %eq3A_33 = vector.broadcast %broadcast_in_dim3A_32 : vector<512x1xf32> to vector<512x512xf32>
    %eq3A_34 = arith.cmpf oeq, %convert_element_type3A, %eq3A_33 : vector<512x512xf32>
    %jit3A_35 = arith.constant -1.000000e+30 : f32
    %broadcast_in_dim3A_36 = vector.broadcast %jit3A_35 : f32 to vector<512x512xf32>
    %select_n3A_37 = arith.select %eq3A_34, %broadcast_in_dim3A_36, %select_n3A_21 : vector<512x512xi1>, vector<512x512xf32>
    %reduce_max3A_38 = arith.constant dense<0xFF800000> : vector<512xf32>
    %reduce_max3A_39 = vector.multi_reduction <maximumf>, %select_n3A_37, %reduce_max3A_38 [1] : vector<512x512xf32> to vector<512xf32>
    %broadcast_in_dim3A_40 = vector.shape_cast %reduce_max3A_39 : vector<512xf32> to vector<512x1xf32>
    %eq3A_41 = vector.broadcast %broadcast_in_dim3A_40 : vector<512x1xf32> to vector<512x512xf32>
    %eq3A_42 = arith.cmpf oeq, %select_n3A_37, %eq3A_41 : vector<512x512xf32>
    %jit3A_43 = arith.constant 1.000000e+09 : f32
    %broadcast_in_dim3A_44 = vector.broadcast %jit3A_43 : f32 to vector<512x512xf32>
    %select_n3A_45 = arith.select %eq3A_42, %convert_element_type3A, %broadcast_in_dim3A_44 : vector<512x512xi1>, vector<512x512xf32>
    %reduce_min3A_46 = arith.constant dense<0x7F800000> : vector<512xf32>
    %reduce_min3A_47 = vector.multi_reduction <minimumf>, %select_n3A_45, %reduce_min3A_46 [1] : vector<512x512xf32> to vector<512xf32>
    %broadcast_in_dim3A_48 = vector.shape_cast %reduce_min3A_47 : vector<512xf32> to vector<512x1xf32>
    %eq3A_49 = vector.broadcast %broadcast_in_dim3A_48 : vector<512x1xf32> to vector<512x512xf32>
    %eq3A_50 = arith.cmpf oeq, %convert_element_type3A, %eq3A_49 : vector<512x512xf32>
    %jit3A_51 = arith.constant -1.000000e+30 : f32
    %broadcast_in_dim3A_52 = vector.broadcast %jit3A_51 : f32 to vector<512x512xf32>
    %select_n3A_53 = arith.select %eq3A_50, %broadcast_in_dim3A_52, %select_n3A_37 : vector<512x512xi1>, vector<512x512xf32>
    %reduce_max3A_54 = arith.constant dense<0xFF800000> : vector<512xf32>
    %reduce_max3A_55 = vector.multi_reduction <maximumf>, %select_n3A_53, %reduce_max3A_54 [1] : vector<512x512xf32> to vector<512xf32>
    %broadcast_in_dim3A_56 = vector.shape_cast %reduce_max3A_55 : vector<512xf32> to vector<512x1xf32>
    %eq3A_57 = vector.broadcast %broadcast_in_dim3A_56 : vector<512x1xf32> to vector<512x512xf32>
    %eq3A_58 = arith.cmpf oeq, %select_n3A_53, %eq3A_57 : vector<512x512xf32>
    %jit3A_59 = arith.constant 1.000000e+09 : f32
    %broadcast_in_dim3A_60 = vector.broadcast %jit3A_59 : f32 to vector<512x512xf32>
    %select_n3A_61 = arith.select %eq3A_58, %convert_element_type3A, %broadcast_in_dim3A_60 : vector<512x512xi1>, vector<512x512xf32>
    %reduce_min3A_62 = arith.constant dense<0x7F800000> : vector<512xf32>
    %reduce_min3A_63 = vector.multi_reduction <minimumf>, %select_n3A_61, %reduce_min3A_62 [1] : vector<512x512xf32> to vector<512xf32>
    %broadcast_in_dim3A_64 = vector.shape_cast %reduce_min3A_63 : vector<512xf32> to vector<512x1xf32>
    %eq3A_65 = vector.broadcast %broadcast_in_dim3A_64 : vector<512x1xf32> to vector<512x512xf32>
    %eq3A_66 = arith.cmpf oeq, %convert_element_type3A, %eq3A_65 : vector<512x512xf32>
    %jit3A_67 = arith.constant -1.000000e+30 : f32
    %broadcast_in_dim3A_68 = vector.broadcast %jit3A_67 : f32 to vector<512x512xf32>
    %select_n3A_69 = arith.select %eq3A_66, %broadcast_in_dim3A_68, %select_n3A_53 : vector<512x512xi1>, vector<512x512xf32>
    %reduce_max3A_70 = arith.constant dense<0xFF800000> : vector<512xf32>
    %reduce_max3A_71 = vector.multi_reduction <maximumf>, %select_n3A_69, %reduce_max3A_70 [1] : vector<512x512xf32> to vector<512xf32>
    %broadcast_in_dim3A_72 = vector.shape_cast %reduce_max3A_71 : vector<512xf32> to vector<512x1xf32>
    %eq3A_73 = vector.broadcast %broadcast_in_dim3A_72 : vector<512x1xf32> to vector<512x512xf32>
    %eq3A_74 = arith.cmpf oeq, %select_n3A_69, %eq3A_73 : vector<512x512xf32>
    %jit3A_75 = arith.constant 1.000000e+09 : f32
    %broadcast_in_dim3A_76 = vector.broadcast %jit3A_75 : f32 to vector<512x512xf32>
    %select_n3A_77 = arith.select %eq3A_74, %convert_element_type3A, %broadcast_in_dim3A_76 : vector<512x512xi1>, vector<512x512xf32>
    %reduce_min3A_78 = arith.constant dense<0x7F800000> : vector<512xf32>
    %reduce_min3A_79 = vector.multi_reduction <minimumf>, %select_n3A_77, %reduce_min3A_78 [1] : vector<512x512xf32> to vector<512xf32>
    %broadcast_in_dim3A_80 = vector.shape_cast %reduce_min3A_79 : vector<512xf32> to vector<512x1xf32>
    %eq3A_81 = vector.broadcast %broadcast_in_dim3A_80 : vector<512x1xf32> to vector<512x512xf32>
    %eq3A_82 = arith.cmpf oeq, %convert_element_type3A, %eq3A_81 : vector<512x512xf32>
    %jit3A_83 = arith.constant -1.000000e+30 : f32
    %broadcast_in_dim3A_84 = vector.broadcast %jit3A_83 : f32 to vector<512x512xf32>
    %select_n3A_85 = arith.select %eq3A_82, %broadcast_in_dim3A_84, %select_n3A_69 : vector<512x512xi1>, vector<512x512xf32>
    %reduce_max3A_86 = arith.constant dense<0xFF800000> : vector<512xf32>
    %reduce_max3A_87 = vector.multi_reduction <maximumf>, %select_n3A_85, %reduce_max3A_86 [1] : vector<512x512xf32> to vector<512xf32>
    %broadcast_in_dim3A_88 = vector.shape_cast %reduce_max3A_87 : vector<512xf32> to vector<512x1xf32>
    %eq3A_89 = vector.broadcast %broadcast_in_dim3A_88 : vector<512x1xf32> to vector<512x512xf32>
    %eq3A_90 = arith.cmpf oeq, %select_n3A_85, %eq3A_89 : vector<512x512xf32>
    %jit3A_91 = arith.constant 1.000000e+09 : f32
    %broadcast_in_dim3A_92 = vector.broadcast %jit3A_91 : f32 to vector<512x512xf32>
    %select_n3A_93 = arith.select %eq3A_90, %convert_element_type3A, %broadcast_in_dim3A_92 : vector<512x512xi1>, vector<512x512xf32>
    %reduce_min3A_94 = arith.constant dense<0x7F800000> : vector<512xf32>
    %reduce_min3A_95 = vector.multi_reduction <minimumf>, %select_n3A_93, %reduce_min3A_94 [1] : vector<512x512xf32> to vector<512xf32>
    %broadcast_in_dim3A_96 = vector.shape_cast %reduce_min3A_95 : vector<512xf32> to vector<512x1xf32>
    %eq3A_97 = vector.broadcast %broadcast_in_dim3A_96 : vector<512x1xf32> to vector<512x512xf32>
    %eq3A_98 = arith.cmpf oeq, %convert_element_type3A, %eq3A_97 : vector<512x512xf32>
    %jit3A_99 = arith.constant -1.000000e+30 : f32
    %broadcast_in_dim3A_100 = vector.broadcast %jit3A_99 : f32 to vector<512x512xf32>
    %select_n3A_101 = arith.select %eq3A_98, %broadcast_in_dim3A_100, %select_n3A_85 : vector<512x512xi1>, vector<512x512xf32>
    %reduce_max3A_102 = arith.constant dense<0xFF800000> : vector<512xf32>
    %reduce_max3A_103 = vector.multi_reduction <maximumf>, %select_n3A_101, %reduce_max3A_102 [1] : vector<512x512xf32> to vector<512xf32>
    %broadcast_in_dim3A_104 = vector.shape_cast %reduce_max3A_103 : vector<512xf32> to vector<512x1xf32>
    %eq3A_105 = vector.broadcast %broadcast_in_dim3A_104 : vector<512x1xf32> to vector<512x512xf32>
    %eq3A_106 = arith.cmpf oeq, %select_n3A_101, %eq3A_105 : vector<512x512xf32>
    %jit3A_107 = arith.constant 1.000000e+09 : f32
    %broadcast_in_dim3A_108 = vector.broadcast %jit3A_107 : f32 to vector<512x512xf32>
    %select_n3A_109 = arith.select %eq3A_106, %convert_element_type3A, %broadcast_in_dim3A_108 : vector<512x512xi1>, vector<512x512xf32>
    %reduce_min3A_110 = arith.constant dense<0x7F800000> : vector<512xf32>
    %reduce_min3A_111 = vector.multi_reduction <minimumf>, %select_n3A_109, %reduce_min3A_110 [1] : vector<512x512xf32> to vector<512xf32>
    %broadcast_in_dim3A_112 = vector.shape_cast %reduce_min3A_111 : vector<512xf32> to vector<512x1xf32>
    %eq3A_113 = vector.broadcast %broadcast_in_dim3A_112 : vector<512x1xf32> to vector<512x512xf32>
    %eq3A_114 = arith.cmpf oeq, %convert_element_type3A, %eq3A_113 : vector<512x512xf32>
    %jit3A_115 = arith.constant -1.000000e+30 : f32
    %broadcast_in_dim3A_116 = vector.broadcast %jit3A_115 : f32 to vector<512x512xf32>
    %select_n3A_117 = arith.select %eq3A_114, %broadcast_in_dim3A_116, %select_n3A_101 : vector<512x512xi1>, vector<512x512xf32>
    %reduce_max3A_118 = arith.constant dense<0xFF800000> : vector<512xf32>
    %reduce_max3A_119 = vector.multi_reduction <maximumf>, %select_n3A_117, %reduce_max3A_118 [1] : vector<512x512xf32> to vector<512xf32>
    %broadcast_in_dim3A_120 = vector.shape_cast %reduce_max3A_119 : vector<512xf32> to vector<512x1xf32>
    %eq3A_121 = vector.broadcast %broadcast_in_dim3A_120 : vector<512x1xf32> to vector<512x512xf32>
    %eq3A_122 = arith.cmpf oeq, %select_n3A_117, %eq3A_121 : vector<512x512xf32>
    %jit3A_123 = arith.constant 1.000000e+09 : f32
    %broadcast_in_dim3A_124 = vector.broadcast %jit3A_123 : f32 to vector<512x512xf32>
    %select_n3A_125 = arith.select %eq3A_122, %convert_element_type3A, %broadcast_in_dim3A_124 : vector<512x512xi1>, vector<512x512xf32>
    %reduce_min3A_126 = arith.constant dense<0x7F800000> : vector<512xf32>
    %reduce_min3A_127 = vector.multi_reduction <minimumf>, %select_n3A_125, %reduce_min3A_126 [1] : vector<512x512xf32> to vector<512xf32>
    %broadcast_in_dim3A_128 = vector.shape_cast %reduce_min3A_127 : vector<512xf32> to vector<512x1xf32>
    %concatenate3A = tpu.concatenate %broadcast_in_dim3A_16, %broadcast_in_dim3A_32, %broadcast_in_dim3A_48, %broadcast_in_dim3A_64, %broadcast_in_dim3A_80, %broadcast_in_dim3A_96, %broadcast_in_dim3A_112, %broadcast_in_dim3A_128 in 1 : vector<512x1xf32>, vector<512x1xf32>, vector<512x1xf32>, vector<512x1xf32>, vector<512x1xf32>, vector<512x1xf32>, vector<512x1xf32>, vector<512x1xf32> -> vector<512x8xf32>
    %mul3A_129 = arith.constant 4.096000e+03 : f32
    %mul3A_130 = vector.broadcast %mul3A_129 : f32 to vector<512x8xf32>
    %mul3A_131 = arith.mulf %concatenate3A, %mul3A_130 : vector<512x8xf32>
    %add3A_132 = arith.addf %mul3A_131, %add3A_8 : vector<512x8xf32>
    %convert_element_type3A_133 = arith.fptosi %add3A_132 : vector<512x8xf32> to vector<512x8xi32>
    %swap3A = arith.constant 0 : index
    %swap3A_134 = arith.constant 0 : index
    %swap3A_135 = vector.load %arg2[%swap3A, %swap3A_134] : memref<512x8xi32, #tpu.memory_space<vmem>>, vector<512x8xi32>
    tpu.vector_store %arg2[%swap3A, %swap3A_134], %convert_element_type3A_133 {strides = array<i32>} : memref<512x8xi32, #tpu.memory_space<vmem>>, vector<512x8xi32>,
    %mul3A_136 = arith.constant 2.560000e+02 : f32
    %mul3A_137 = vector.broadcast %mul3A_136 : f32 to vector<512x8xf32>
    %mul3A_138 = arith.mulf %concatenate3A, %mul3A_137 : vector<512x8xf32>
    %convert_element_type3A_139 = arith.fptosi %mul3A_138 : vector<512x8xf32> to vector<512x8xi32>
    %swap3A_140 = arith.constant 0 : index
    %swap3A_141 = arith.constant 0 : index
    %swap3A_142 = vector.load %arg3[%swap3A_140, %swap3A_141] : memref<512x8xi32, #tpu.memory_space<vmem>>, vector<512x8xi32>
    tpu.vector_store %arg3[%swap3A_140, %swap3A_141], %convert_element_type3A_139 {strides = array<i32>} : memref<512x8xi32, #tpu.memory_space<vmem>>, vector<512x8xi32>,
    return
  }
  func.func @transform_0(%arg0: i32) -> (i32, i32) {
    %c0_i32 = arith.constant 0 : i32
    %c0_i32_0 = arith.constant 0 : i32
    return %arg0, %c0_i32 : i32, i32
  }
  func.func @transform_1(%arg0: i32) -> (i32, i32) {
    %c0_i32 = arith.constant 0 : i32
    %c0_i32_0 = arith.constant 0 : i32
    return %arg0, %c0_i32 : i32, i32
  }
  func.func @transform_2(%arg0: i32) -> (i32, i32) {
    %c0_i32 = arith.constant 0 : i32
    %c0_i32_0 = arith.constant 0 : i32
    return %arg0, %c0_i32 : i32, i32
  }
}

module attributes {stable_mosaic.version = 14 : i64} {
  func.func @_phased_body(%arg0: i32, %arg1: memref<512x2048xf32, #tpu.memory_space<vmem>>, %arg2: memref<512x8xi32, #tpu.memory_space<vmem>>, %arg3: memref<512x8xf32, #tpu.memory_space<vmem>>, %arg4: memref<512x8xi32, #tpu.memory_space<vmem>>) attributes {dimension_semantics = [#tpu.dimension_semantics<arbitrary>], iteration_bounds = array<i64: 8>, scalar_prefetch = 0 : i64, scratch_operands = 0 : i64, tpu.core_type = #tpu.core_type<tc>, window_params = [{transform_indices = @transform_0, window_bounds = array<i64: 512, 2048>}, {transform_indices = @transform_1, window_bounds = array<i64: 512, 8>}, {transform_indices = @transform_2, window_bounds = array<i64: 512, 8>}, {transform_indices = @transform_3, window_bounds = array<i64: 512, 8>}]} {
    %get3A = arith.constant 0 : index
    %get3A_0 = arith.constant 0 : index
    %get3A_1 = vector.load %arg1[%get3A, %get3A_0] : memref<512x2048xf32, #tpu.memory_space<vmem>>, vector<512x2048xf32>
    %get3A_2 = arith.constant 0 : index
    %get3A_3 = arith.constant 0 : index
    %get3A_4 = vector.load %arg2[%get3A_2, %get3A_3] : memref<512x8xi32, #tpu.memory_space<vmem>>, vector<512x8xi32>
    %convert_element_type3A = arith.sitofp %get3A_4 : vector<512x8xi32> to vector<512x8xf32>
    %iota3A = tpu.iota {dimensions = array<i32: 1>} : vector<512x2048xi32>
    %and3A = arith.constant 255 : i32
    %and3A_5 = vector.broadcast %and3A : i32 to vector<512x2048xi32>
    %and3A_6 = arith.andi %iota3A, %and3A_5 : vector<512x2048xi32>
    %convert_element_type3A_7 = arith.sitofp %and3A_6 : vector<512x2048xi32> to vector<512x2048xf32>
    %slice3A = vector.extract_strided_slice %convert_element_type3A {offsets = [0, 0], sizes = [512, 1], strides = [1, 1]} : vector<512x8xf32> to vector<512x1xf32>
    %broadcast_in_dim3A = vector.shape_cast %slice3A : vector<512x1xf32> to vector<512x1xf32>
    %broadcast_in_dim3A_8 = vector.broadcast %broadcast_in_dim3A : vector<512x1xf32> to vector<512x256xf32>
    %slice3A_9 = vector.extract_strided_slice %convert_element_type3A {offsets = [0, 1], sizes = [512, 1], strides = [1, 1]} : vector<512x8xf32> to vector<512x1xf32>
    %broadcast_in_dim3A_10 = vector.shape_cast %slice3A_9 : vector<512x1xf32> to vector<512x1xf32>
    %broadcast_in_dim3A_11 = vector.broadcast %broadcast_in_dim3A_10 : vector<512x1xf32> to vector<512x256xf32>
    %slice3A_12 = vector.extract_strided_slice %convert_element_type3A {offsets = [0, 2], sizes = [512, 1], strides = [1, 1]} : vector<512x8xf32> to vector<512x1xf32>
    %broadcast_in_dim3A_13 = vector.shape_cast %slice3A_12 : vector<512x1xf32> to vector<512x1xf32>
    %broadcast_in_dim3A_14 = vector.broadcast %broadcast_in_dim3A_13 : vector<512x1xf32> to vector<512x256xf32>
    %slice3A_15 = vector.extract_strided_slice %convert_element_type3A {offsets = [0, 3], sizes = [512, 1], strides = [1, 1]} : vector<512x8xf32> to vector<512x1xf32>
    %broadcast_in_dim3A_16 = vector.shape_cast %slice3A_15 : vector<512x1xf32> to vector<512x1xf32>
    %broadcast_in_dim3A_17 = vector.broadcast %broadcast_in_dim3A_16 : vector<512x1xf32> to vector<512x256xf32>
    %slice3A_18 = vector.extract_strided_slice %convert_element_type3A {offsets = [0, 4], sizes = [512, 1], strides = [1, 1]} : vector<512x8xf32> to vector<512x1xf32>
    %broadcast_in_dim3A_19 = vector.shape_cast %slice3A_18 : vector<512x1xf32> to vector<512x1xf32>
    %broadcast_in_dim3A_20 = vector.broadcast %broadcast_in_dim3A_19 : vector<512x1xf32> to vector<512x256xf32>
    %slice3A_21 = vector.extract_strided_slice %convert_element_type3A {offsets = [0, 5], sizes = [512, 1], strides = [1, 1]} : vector<512x8xf32> to vector<512x1xf32>
    %broadcast_in_dim3A_22 = vector.shape_cast %slice3A_21 : vector<512x1xf32> to vector<512x1xf32>
    %broadcast_in_dim3A_23 = vector.broadcast %broadcast_in_dim3A_22 : vector<512x1xf32> to vector<512x256xf32>
    %slice3A_24 = vector.extract_strided_slice %convert_element_type3A {offsets = [0, 6], sizes = [512, 1], strides = [1, 1]} : vector<512x8xf32> to vector<512x1xf32>
    %broadcast_in_dim3A_25 = vector.shape_cast %slice3A_24 : vector<512x1xf32> to vector<512x1xf32>
    %broadcast_in_dim3A_26 = vector.broadcast %broadcast_in_dim3A_25 : vector<512x1xf32> to vector<512x256xf32>
    %slice3A_27 = vector.extract_strided_slice %convert_element_type3A {offsets = [0, 7], sizes = [512, 1], strides = [1, 1]} : vector<512x8xf32> to vector<512x1xf32>
    %broadcast_in_dim3A_28 = vector.shape_cast %slice3A_27 : vector<512x1xf32> to vector<512x1xf32>
    %broadcast_in_dim3A_29 = vector.broadcast %broadcast_in_dim3A_28 : vector<512x1xf32> to vector<512x256xf32>
    %concatenate3A = tpu.concatenate %broadcast_in_dim3A_8, %broadcast_in_dim3A_11, %broadcast_in_dim3A_14, %broadcast_in_dim3A_17, %broadcast_in_dim3A_20, %broadcast_in_dim3A_23, %broadcast_in_dim3A_26, %broadcast_in_dim3A_29 in 1 : vector<512x256xf32>, vector<512x256xf32>, vector<512x256xf32>, vector<512x256xf32>, vector<512x256xf32>, vector<512x256xf32>, vector<512x256xf32>, vector<512x256xf32> -> vector<512x2048xf32>
    %add3A = arith.addf %concatenate3A, %convert_element_type3A_7 : vector<512x2048xf32>
    %lt3A = arith.constant 1.000000e+05 : f32
    %lt3A_30 = vector.broadcast %lt3A : f32 to vector<512x2048xf32>
    %lt3A_31 = arith.cmpf olt, %add3A, %lt3A_30 : vector<512x2048xf32>
    %jit3A = arith.constant -1.000000e+30 : f32
    %broadcast_in_dim3A_32 = vector.broadcast %jit3A : f32 to vector<512x2048xf32>
    %select_n3A = arith.select %lt3A_31, %get3A_1, %broadcast_in_dim3A_32 : vector<512x2048xi1>, vector<512x2048xf32>
    %reduce_max3A = arith.constant dense<0xFF800000> : vector<512xf32>
    %reduce_max3A_33 = vector.multi_reduction <maximumf>, %select_n3A, %reduce_max3A [1] : vector<512x2048xf32> to vector<512xf32>
    %broadcast_in_dim3A_34 = vector.shape_cast %reduce_max3A_33 : vector<512xf32> to vector<512x1xf32>
    %eq3A = vector.broadcast %broadcast_in_dim3A_34 : vector<512x1xf32> to vector<512x2048xf32>
    %eq3A_35 = arith.cmpf oeq, %select_n3A, %eq3A : vector<512x2048xf32>
    %jit3A_36 = arith.constant 1.000000e+09 : f32
    %broadcast_in_dim3A_37 = vector.broadcast %jit3A_36 : f32 to vector<512x2048xf32>
    %select_n3A_38 = arith.select %eq3A_35, %add3A, %broadcast_in_dim3A_37 : vector<512x2048xi1>, vector<512x2048xf32>
    %reduce_min3A = arith.constant dense<0x7F800000> : vector<512xf32>
    %reduce_min3A_39 = vector.multi_reduction <minimumf>, %select_n3A_38, %reduce_min3A [1] : vector<512x2048xf32> to vector<512xf32>
    %broadcast_in_dim3A_40 = vector.shape_cast %reduce_min3A_39 : vector<512xf32> to vector<512x1xf32>
    %eq3A_41 = vector.broadcast %broadcast_in_dim3A_40 : vector<512x1xf32> to vector<512x2048xf32>
    %eq3A_42 = arith.cmpf oeq, %add3A, %eq3A_41 : vector<512x2048xf32>
    %jit3A_43 = arith.constant -1.000000e+30 : f32
    %broadcast_in_dim3A_44 = vector.broadcast %jit3A_43 : f32 to vector<512x2048xf32>
    %select_n3A_45 = arith.select %eq3A_42, %broadcast_in_dim3A_44, %select_n3A : vector<512x2048xi1>, vector<512x2048xf32>
    %reduce_max3A_46 = arith.constant dense<0xFF800000> : vector<512xf32>
    %reduce_max3A_47 = vector.multi_reduction <maximumf>, %select_n3A_45, %reduce_max3A_46 [1] : vector<512x2048xf32> to vector<512xf32>
    %broadcast_in_dim3A_48 = vector.shape_cast %reduce_max3A_47 : vector<512xf32> to vector<512x1xf32>
    %eq3A_49 = vector.broadcast %broadcast_in_dim3A_48 : vector<512x1xf32> to vector<512x2048xf32>
    %eq3A_50 = arith.cmpf oeq, %select_n3A_45, %eq3A_49 : vector<512x2048xf32>
    %jit3A_51 = arith.constant 1.000000e+09 : f32
    %broadcast_in_dim3A_52 = vector.broadcast %jit3A_51 : f32 to vector<512x2048xf32>
    %select_n3A_53 = arith.select %eq3A_50, %add3A, %broadcast_in_dim3A_52 : vector<512x2048xi1>, vector<512x2048xf32>
    %reduce_min3A_54 = arith.constant dense<0x7F800000> : vector<512xf32>
    %reduce_min3A_55 = vector.multi_reduction <minimumf>, %select_n3A_53, %reduce_min3A_54 [1] : vector<512x2048xf32> to vector<512xf32>
    %broadcast_in_dim3A_56 = vector.shape_cast %reduce_min3A_55 : vector<512xf32> to vector<512x1xf32>
    %eq3A_57 = vector.broadcast %broadcast_in_dim3A_56 : vector<512x1xf32> to vector<512x2048xf32>
    %eq3A_58 = arith.cmpf oeq, %add3A, %eq3A_57 : vector<512x2048xf32>
    %jit3A_59 = arith.constant -1.000000e+30 : f32
    %broadcast_in_dim3A_60 = vector.broadcast %jit3A_59 : f32 to vector<512x2048xf32>
    %select_n3A_61 = arith.select %eq3A_58, %broadcast_in_dim3A_60, %select_n3A_45 : vector<512x2048xi1>, vector<512x2048xf32>
    %reduce_max3A_62 = arith.constant dense<0xFF800000> : vector<512xf32>
    %reduce_max3A_63 = vector.multi_reduction <maximumf>, %select_n3A_61, %reduce_max3A_62 [1] : vector<512x2048xf32> to vector<512xf32>
    %broadcast_in_dim3A_64 = vector.shape_cast %reduce_max3A_63 : vector<512xf32> to vector<512x1xf32>
    %eq3A_65 = vector.broadcast %broadcast_in_dim3A_64 : vector<512x1xf32> to vector<512x2048xf32>
    %eq3A_66 = arith.cmpf oeq, %select_n3A_61, %eq3A_65 : vector<512x2048xf32>
    %jit3A_67 = arith.constant 1.000000e+09 : f32
    %broadcast_in_dim3A_68 = vector.broadcast %jit3A_67 : f32 to vector<512x2048xf32>
    %select_n3A_69 = arith.select %eq3A_66, %add3A, %broadcast_in_dim3A_68 : vector<512x2048xi1>, vector<512x2048xf32>
    %reduce_min3A_70 = arith.constant dense<0x7F800000> : vector<512xf32>
    %reduce_min3A_71 = vector.multi_reduction <minimumf>, %select_n3A_69, %reduce_min3A_70 [1] : vector<512x2048xf32> to vector<512xf32>
    %broadcast_in_dim3A_72 = vector.shape_cast %reduce_min3A_71 : vector<512xf32> to vector<512x1xf32>
    %eq3A_73 = vector.broadcast %broadcast_in_dim3A_72 : vector<512x1xf32> to vector<512x2048xf32>
    %eq3A_74 = arith.cmpf oeq, %add3A, %eq3A_73 : vector<512x2048xf32>
    %jit3A_75 = arith.constant -1.000000e+30 : f32
    %broadcast_in_dim3A_76 = vector.broadcast %jit3A_75 : f32 to vector<512x2048xf32>
    %select_n3A_77 = arith.select %eq3A_74, %broadcast_in_dim3A_76, %select_n3A_61 : vector<512x2048xi1>, vector<512x2048xf32>
    %reduce_max3A_78 = arith.constant dense<0xFF800000> : vector<512xf32>
    %reduce_max3A_79 = vector.multi_reduction <maximumf>, %select_n3A_77, %reduce_max3A_78 [1] : vector<512x2048xf32> to vector<512xf32>
    %broadcast_in_dim3A_80 = vector.shape_cast %reduce_max3A_79 : vector<512xf32> to vector<512x1xf32>
    %eq3A_81 = vector.broadcast %broadcast_in_dim3A_80 : vector<512x1xf32> to vector<512x2048xf32>
    %eq3A_82 = arith.cmpf oeq, %select_n3A_77, %eq3A_81 : vector<512x2048xf32>
    %jit3A_83 = arith.constant 1.000000e+09 : f32
    %broadcast_in_dim3A_84 = vector.broadcast %jit3A_83 : f32 to vector<512x2048xf32>
    %select_n3A_85 = arith.select %eq3A_82, %add3A, %broadcast_in_dim3A_84 : vector<512x2048xi1>, vector<512x2048xf32>
    %reduce_min3A_86 = arith.constant dense<0x7F800000> : vector<512xf32>
    %reduce_min3A_87 = vector.multi_reduction <minimumf>, %select_n3A_85, %reduce_min3A_86 [1] : vector<512x2048xf32> to vector<512xf32>
    %broadcast_in_dim3A_88 = vector.shape_cast %reduce_min3A_87 : vector<512xf32> to vector<512x1xf32>
    %eq3A_89 = vector.broadcast %broadcast_in_dim3A_88 : vector<512x1xf32> to vector<512x2048xf32>
    %eq3A_90 = arith.cmpf oeq, %add3A, %eq3A_89 : vector<512x2048xf32>
    %jit3A_91 = arith.constant -1.000000e+30 : f32
    %broadcast_in_dim3A_92 = vector.broadcast %jit3A_91 : f32 to vector<512x2048xf32>
    %select_n3A_93 = arith.select %eq3A_90, %broadcast_in_dim3A_92, %select_n3A_77 : vector<512x2048xi1>, vector<512x2048xf32>
    %reduce_max3A_94 = arith.constant dense<0xFF800000> : vector<512xf32>
    %reduce_max3A_95 = vector.multi_reduction <maximumf>, %select_n3A_93, %reduce_max3A_94 [1] : vector<512x2048xf32> to vector<512xf32>
    %broadcast_in_dim3A_96 = vector.shape_cast %reduce_max3A_95 : vector<512xf32> to vector<512x1xf32>
    %eq3A_97 = vector.broadcast %broadcast_in_dim3A_96 : vector<512x1xf32> to vector<512x2048xf32>
    %eq3A_98 = arith.cmpf oeq, %select_n3A_93, %eq3A_97 : vector<512x2048xf32>
    %jit3A_99 = arith.constant 1.000000e+09 : f32
    %broadcast_in_dim3A_100 = vector.broadcast %jit3A_99 : f32 to vector<512x2048xf32>
    %select_n3A_101 = arith.select %eq3A_98, %add3A, %broadcast_in_dim3A_100 : vector<512x2048xi1>, vector<512x2048xf32>
    %reduce_min3A_102 = arith.constant dense<0x7F800000> : vector<512xf32>
    %reduce_min3A_103 = vector.multi_reduction <minimumf>, %select_n3A_101, %reduce_min3A_102 [1] : vector<512x2048xf32> to vector<512xf32>
    %broadcast_in_dim3A_104 = vector.shape_cast %reduce_min3A_103 : vector<512xf32> to vector<512x1xf32>
    %eq3A_105 = vector.broadcast %broadcast_in_dim3A_104 : vector<512x1xf32> to vector<512x2048xf32>
    %eq3A_106 = arith.cmpf oeq, %add3A, %eq3A_105 : vector<512x2048xf32>
    %jit3A_107 = arith.constant -1.000000e+30 : f32
    %broadcast_in_dim3A_108 = vector.broadcast %jit3A_107 : f32 to vector<512x2048xf32>
    %select_n3A_109 = arith.select %eq3A_106, %broadcast_in_dim3A_108, %select_n3A_93 : vector<512x2048xi1>, vector<512x2048xf32>
    %reduce_max3A_110 = arith.constant dense<0xFF800000> : vector<512xf32>
    %reduce_max3A_111 = vector.multi_reduction <maximumf>, %select_n3A_109, %reduce_max3A_110 [1] : vector<512x2048xf32> to vector<512xf32>
    %broadcast_in_dim3A_112 = vector.shape_cast %reduce_max3A_111 : vector<512xf32> to vector<512x1xf32>
    %eq3A_113 = vector.broadcast %broadcast_in_dim3A_112 : vector<512x1xf32> to vector<512x2048xf32>
    %eq3A_114 = arith.cmpf oeq, %select_n3A_109, %eq3A_113 : vector<512x2048xf32>
    %jit3A_115 = arith.constant 1.000000e+09 : f32
    %broadcast_in_dim3A_116 = vector.broadcast %jit3A_115 : f32 to vector<512x2048xf32>
    %select_n3A_117 = arith.select %eq3A_114, %add3A, %broadcast_in_dim3A_116 : vector<512x2048xi1>, vector<512x2048xf32>
    %reduce_min3A_118 = arith.constant dense<0x7F800000> : vector<512xf32>
    %reduce_min3A_119 = vector.multi_reduction <minimumf>, %select_n3A_117, %reduce_min3A_118 [1] : vector<512x2048xf32> to vector<512xf32>
    %broadcast_in_dim3A_120 = vector.shape_cast %reduce_min3A_119 : vector<512xf32> to vector<512x1xf32>
    %eq3A_121 = vector.broadcast %broadcast_in_dim3A_120 : vector<512x1xf32> to vector<512x2048xf32>
    %eq3A_122 = arith.cmpf oeq, %add3A, %eq3A_121 : vector<512x2048xf32>
    %jit3A_123 = arith.constant -1.000000e+30 : f32
    %broadcast_in_dim3A_124 = vector.broadcast %jit3A_123 : f32 to vector<512x2048xf32>
    %select_n3A_125 = arith.select %eq3A_122, %broadcast_in_dim3A_124, %select_n3A_109 : vector<512x2048xi1>, vector<512x2048xf32>
    %reduce_max3A_126 = arith.constant dense<0xFF800000> : vector<512xf32>
    %reduce_max3A_127 = vector.multi_reduction <maximumf>, %select_n3A_125, %reduce_max3A_126 [1] : vector<512x2048xf32> to vector<512xf32>
    %broadcast_in_dim3A_128 = vector.shape_cast %reduce_max3A_127 : vector<512xf32> to vector<512x1xf32>
    %eq3A_129 = vector.broadcast %broadcast_in_dim3A_128 : vector<512x1xf32> to vector<512x2048xf32>
    %eq3A_130 = arith.cmpf oeq, %select_n3A_125, %eq3A_129 : vector<512x2048xf32>
    %jit3A_131 = arith.constant 1.000000e+09 : f32
    %broadcast_in_dim3A_132 = vector.broadcast %jit3A_131 : f32 to vector<512x2048xf32>
    %select_n3A_133 = arith.select %eq3A_130, %add3A, %broadcast_in_dim3A_132 : vector<512x2048xi1>, vector<512x2048xf32>
    %reduce_min3A_134 = arith.constant dense<0x7F800000> : vector<512xf32>
    %reduce_min3A_135 = vector.multi_reduction <minimumf>, %select_n3A_133, %reduce_min3A_134 [1] : vector<512x2048xf32> to vector<512xf32>
    %broadcast_in_dim3A_136 = vector.shape_cast %reduce_min3A_135 : vector<512xf32> to vector<512x1xf32>
    %eq3A_137 = vector.broadcast %broadcast_in_dim3A_136 : vector<512x1xf32> to vector<512x2048xf32>
    %eq3A_138 = arith.cmpf oeq, %add3A, %eq3A_137 : vector<512x2048xf32>
    %jit3A_139 = arith.constant -1.000000e+30 : f32
    %broadcast_in_dim3A_140 = vector.broadcast %jit3A_139 : f32 to vector<512x2048xf32>
    %select_n3A_141 = arith.select %eq3A_138, %broadcast_in_dim3A_140, %select_n3A_125 : vector<512x2048xi1>, vector<512x2048xf32>
    %reduce_max3A_142 = arith.constant dense<0xFF800000> : vector<512xf32>
    %reduce_max3A_143 = vector.multi_reduction <maximumf>, %select_n3A_141, %reduce_max3A_142 [1] : vector<512x2048xf32> to vector<512xf32>
    %broadcast_in_dim3A_144 = vector.shape_cast %reduce_max3A_143 : vector<512xf32> to vector<512x1xf32>
    %eq3A_145 = vector.broadcast %broadcast_in_dim3A_144 : vector<512x1xf32> to vector<512x2048xf32>
    %eq3A_146 = arith.cmpf oeq, %select_n3A_141, %eq3A_145 : vector<512x2048xf32>
    %jit3A_147 = arith.constant 1.000000e+09 : f32
    %broadcast_in_dim3A_148 = vector.broadcast %jit3A_147 : f32 to vector<512x2048xf32>
    %select_n3A_149 = arith.select %eq3A_146, %add3A, %broadcast_in_dim3A_148 : vector<512x2048xi1>, vector<512x2048xf32>
    %reduce_min3A_150 = arith.constant dense<0x7F800000> : vector<512xf32>
    %reduce_min3A_151 = vector.multi_reduction <minimumf>, %select_n3A_149, %reduce_min3A_150 [1] : vector<512x2048xf32> to vector<512xf32>
    %broadcast_in_dim3A_152 = vector.shape_cast %reduce_min3A_151 : vector<512xf32> to vector<512x1xf32>
    %concatenate3A_153 = tpu.concatenate %broadcast_in_dim3A_34, %broadcast_in_dim3A_48, %broadcast_in_dim3A_64, %broadcast_in_dim3A_80, %broadcast_in_dim3A_96, %broadcast_in_dim3A_112, %broadcast_in_dim3A_128, %broadcast_in_dim3A_144 in 1 : vector<512x1xf32>, vector<512x1xf32>, vector<512x1xf32>, vector<512x1xf32>, vector<512x1xf32>, vector<512x1xf32>, vector<512x1xf32>, vector<512x1xf32> -> vector<512x8xf32>
    %swap3A = arith.constant 0 : index
    %swap3A_154 = arith.constant 0 : index
    %swap3A_155 = vector.load %arg3[%swap3A, %swap3A_154] : memref<512x8xf32, #tpu.memory_space<vmem>>, vector<512x8xf32>
    tpu.vector_store %arg3[%swap3A, %swap3A_154], %concatenate3A_153 {strides = array<i32>} : memref<512x8xf32, #tpu.memory_space<vmem>>, vector<512x8xf32>,
    %concatenate3A_156 = tpu.concatenate %broadcast_in_dim3A_40, %broadcast_in_dim3A_56, %broadcast_in_dim3A_72, %broadcast_in_dim3A_88, %broadcast_in_dim3A_104, %broadcast_in_dim3A_120, %broadcast_in_dim3A_136, %broadcast_in_dim3A_152 in 1 : vector<512x1xf32>, vector<512x1xf32>, vector<512x1xf32>, vector<512x1xf32>, vector<512x1xf32>, vector<512x1xf32>, vector<512x1xf32>, vector<512x1xf32> -> vector<512x8xf32>
    %convert_element_type3A_157 = arith.fptosi %concatenate3A_156 : vector<512x8xf32> to vector<512x8xi32>
    %swap3A_158 = arith.constant 0 : index
    %swap3A_159 = arith.constant 0 : index
    %swap3A_160 = vector.load %arg4[%swap3A_158, %swap3A_159] : memref<512x8xi32, #tpu.memory_space<vmem>>, vector<512x8xi32>
    tpu.vector_store %arg4[%swap3A_158, %swap3A_159], %convert_element_type3A_157 {strides = array<i32>} : memref<512x8xi32, #tpu.memory_space<vmem>>, vector<512x8xi32>,
    return
  }
  func.func @transform_0(%arg0: i32) -> (i32, i32) {
    %c0_i32 = arith.constant 0 : i32
    %c0_i32_0 = arith.constant 0 : i32
    return %arg0, %c0_i32 : i32, i32
  }
  func.func @transform_1(%arg0: i32) -> (i32, i32) {
    %c0_i32 = arith.constant 0 : i32
    %c0_i32_0 = arith.constant 0 : i32
    return %arg0, %c0_i32 : i32, i32
  }
  func.func @transform_2(%arg0: i32) -> (i32, i32) {
    %c0_i32 = arith.constant 0 : i32
    %c0_i32_0 = arith.constant 0 : i32
    return %arg0, %c0_i32 : i32, i32
  }
  func.func @transform_3(%arg0: i32) -> (i32, i32) {
    %c0_i32 = arith.constant 0 : i32
    %c0_i32_0 = arith.constant 0 : i32
    return %arg0, %c0_i32 : i32, i32
  }
}

module attributes {stable_mosaic.version = 14 : i64} {
  func.func @_mlp_body(%arg0: i32, %arg1: memref<512x20xf32, #tpu.memory_space<vmem>>, %arg2: memref<512x1024xf32, #tpu.memory_space<vmem>>, %arg3: memref<512x64xf32, #tpu.memory_space<vmem>>, %arg4: memref<20x512xf32, #tpu.memory_space<vmem>>, %arg5: memref<1024x512xf32, #tpu.memory_space<vmem>>, %arg6: memref<1x512xf32, #tpu.memory_space<vmem>>, %arg7: memref<512x2xf32, #tpu.memory_space<vmem>>, %arg8: memref<1x2xf32, #tpu.memory_space<vmem>>, %arg9: memref<2x512xf32, #tpu.memory_space<vmem>>, %arg10: memref<64x512xf32, #tpu.memory_space<vmem>>, %arg11: memref<1024x512xf32, #tpu.memory_space<vmem>>, %arg12: memref<1x512xf32, #tpu.memory_space<vmem>>, %arg13: memref<512x256xf32, #tpu.memory_space<vmem>>, %arg14: memref<1x256xf32, #tpu.memory_space<vmem>>, %arg15: memref<256x1xf32, #tpu.memory_space<vmem>>, %arg16: memref<1x1xf32, #tpu.memory_space<vmem>>, %arg17: memref<20x2xf32, #tpu.memory_space<vmem>>, %arg18: memref<1x2xf32, #tpu.memory_space<vmem>>, %arg19: memref<512x1xf32, #tpu.memory_space<vmem>>, %arg20: memref<512x2xf32, #tpu.memory_space<vmem>>, %arg21: memref<512x2xf32, #tpu.memory_space<vmem>>) attributes {dimension_semantics = [#tpu.dimension_semantics<arbitrary>], iteration_bounds = array<i64: 8>, scalar_prefetch = 0 : i64, scratch_operands = 0 : i64, tpu.core_type = #tpu.core_type<tc>, window_params = [{transform_indices = @transform_0, window_bounds = array<i64: 512, 20>}, {transform_indices = @transform_1, window_bounds = array<i64: 512, 1024>}, {transform_indices = @transform_2, window_bounds = array<i64: 512, 64>}, {pipeline_mode = #tpu.pipeline_mode<synchronous>, transform_indices = @transform_3, window_bounds = array<i64: 20, 512>}, {pipeline_mode = #tpu.pipeline_mode<synchronous>, transform_indices = @transform_4, window_bounds = array<i64: 1024, 512>}, {pipeline_mode = #tpu.pipeline_mode<synchronous>, transform_indices = @transform_5, window_bounds = array<i64: 1, 512>}, {pipeline_mode = #tpu.pipeline_mode<synchronous>, transform_indices = @transform_6, window_bounds = array<i64: 512, 2>}, {pipeline_mode = #tpu.pipeline_mode<synchronous>, transform_indices = @transform_7, window_bounds = array<i64: 1, 2>}, {pipeline_mode = #tpu.pipeline_mode<synchronous>, transform_indices = @transform_8, window_bounds = array<i64: 2, 512>}, {pipeline_mode = #tpu.pipeline_mode<synchronous>, transform_indices = @transform_9, window_bounds = array<i64: 64, 512>}, {pipeline_mode = #tpu.pipeline_mode<synchronous>, transform_indices = @transform_10, window_bounds = array<i64: 1024, 512>}, {pipeline_mode = #tpu.pipeline_mode<synchronous>, transform_indices = @transform_11, window_bounds = array<i64: 1, 512>}, {pipeline_mode = #tpu.pipeline_mode<synchronous>, transform_indices = @transform_12, window_bounds = array<i64: 512, 256>}, {pipeline_mode = #tpu.pipeline_mode<synchronous>, transform_indices = @transform_13, window_bounds = array<i64: 1, 256>}, {pipeline_mode = #tpu.pipeline_mode<synchronous>, transform_indices = @transform_14, window_bounds = array<i64: 256, 1>}, {pipeline_mode = #tpu.pipeline_mode<synchronous>, transform_indices = @transform_15, window_bounds = array<i64: 1, 1>}, {pipeline_mode = #tpu.pipeline_mode<synchronous>, transform_indices = @transform_16, window_bounds = array<i64: 20, 2>}, {pipeline_mode = #tpu.pipeline_mode<synchronous>, transform_indices = @transform_17, window_bounds = array<i64: 1, 2>}, {transform_indices = @transform_18, window_bounds = array<i64: 512, 1>}, {transform_indices = @transform_19, window_bounds = array<i64: 512, 2>}, {transform_indices = @transform_20, window_bounds = array<i64: 512, 2>}]} {
    %get3A = arith.constant 0 : index
    %get3A_0 = arith.constant 0 : index
    %get3A_1 = vector.load %arg1[%get3A, %get3A_0] : memref<512x20xf32, #tpu.memory_space<vmem>>, vector<512x20xf32>
    %get3A_2 = arith.constant 0 : index
    %get3A_3 = arith.constant 0 : index
    %get3A_4 = vector.load %arg2[%get3A_2, %get3A_3] : memref<512x1024xf32, #tpu.memory_space<vmem>>, vector<512x1024xf32>
    %get3A_5 = arith.constant 0 : index
    %get3A_6 = arith.constant 0 : index
    %get3A_7 = vector.load %arg4[%get3A_5, %get3A_6] : memref<20x512xf32, #tpu.memory_space<vmem>>, vector<20x512xf32>
    %dot_general3A = arith.constant dense<0.000000e+00> : vector<512x512xf32>
    %dot_general3A_8 = tpu.matmul %get3A_1, %get3A_7, %dot_general3A {dimension_numbers = #tpu.dot_dimension_numbers<[1], [0], [0], [1], [0, 0, 1, 1], [], []>, transpose_lhs_hint = false} : vector<512x20xf32>, vector<20x512xf32>, vector<512x512xf32> -> vector<512x512xf32>
    %get3A_9 = arith.constant 0 : index
    %get3A_10 = arith.constant 0 : index
    %get3A_11 = vector.load %arg5[%get3A_9, %get3A_10] : memref<1024x512xf32, #tpu.memory_space<vmem>>, vector<1024x512xf32>
    %dot_general3A_12 = arith.constant dense<0.000000e+00> : vector<512x512xf32>
    %dot_general3A_13 = tpu.matmul %get3A_4, %get3A_11, %dot_general3A_12 {dimension_numbers = #tpu.dot_dimension_numbers<[1], [0], [0], [1], [0, 0, 1, 1], [], []>, transpose_lhs_hint = false} : vector<512x1024xf32>, vector<1024x512xf32>, vector<512x512xf32> -> vector<512x512xf32>
    %add3A = arith.addf %dot_general3A_8, %dot_general3A_13 : vector<512x512xf32>
    %get3A_14 = arith.constant 0 : index
    %get3A_15 = arith.constant 0 : index
    %get3A_16 = vector.load %arg6[%get3A_14, %get3A_15] : memref<1x512xf32, #tpu.memory_space<vmem>>, vector<1x512xf32>
    %add3A_17 = vector.broadcast %get3A_16 : vector<1x512xf32> to vector<512x512xf32>
    %add3A_18 = arith.addf %add3A, %add3A_17 : vector<512x512xf32>
    %max3A = arith.constant 0.000000e+00 : f32
    %max3A_19 = vector.broadcast %max3A : f32 to vector<512x512xf32>
    %max3A_20 = arith.maximumf %add3A_18, %max3A_19 : vector<512x512xf32>
    %get3A_21 = arith.constant 0 : index
    %get3A_22 = arith.constant 0 : index
    %get3A_23 = vector.load %arg7[%get3A_21, %get3A_22] : memref<512x2xf32, #tpu.memory_space<vmem>>, vector<512x2xf32>
    %dot_general3A_24 = arith.constant dense<0.000000e+00> : vector<512x2xf32>
    %dot_general3A_25 = tpu.matmul %max3A_20, %get3A_23, %dot_general3A_24 {dimension_numbers = #tpu.dot_dimension_numbers<[1], [0], [0], [1], [0, 0, 1, 1], [], []>, transpose_lhs_hint = false} : vector<512x512xf32>, vector<512x2xf32>, vector<512x2xf32> -> vector<512x2xf32>
    %get3A_26 = arith.constant 0 : index
    %get3A_27 = arith.constant 0 : index
    %get3A_28 = vector.load %arg8[%get3A_26, %get3A_27] : memref<1x2xf32, #tpu.memory_space<vmem>>, vector<1x2xf32>
    %add3A_29 = vector.broadcast %get3A_28 : vector<1x2xf32> to vector<512x2xf32>
    %add3A_30 = arith.addf %dot_general3A_25, %add3A_29 : vector<512x2xf32>
    %get3A_31 = arith.constant 0 : index
    %get3A_32 = arith.constant 0 : index
    %get3A_33 = vector.load %arg9[%get3A_31, %get3A_32] : memref<2x512xf32, #tpu.memory_space<vmem>>, vector<2x512xf32>
    %dot_general3A_34 = arith.constant dense<0.000000e+00> : vector<512x512xf32>
    %dot_general3A_35 = tpu.matmul %add3A_30, %get3A_33, %dot_general3A_34 {dimension_numbers = #tpu.dot_dimension_numbers<[1], [0], [0], [1], [0, 0, 1, 1], [], []>, transpose_lhs_hint = false} : vector<512x2xf32>, vector<2x512xf32>, vector<512x512xf32> -> vector<512x512xf32>
    %get3A_36 = arith.constant 0 : index
    %get3A_37 = arith.constant 0 : index
    %get3A_38 = vector.load %arg3[%get3A_36, %get3A_37] : memref<512x64xf32, #tpu.memory_space<vmem>>, vector<512x64xf32>
    %get3A_39 = arith.constant 0 : index
    %get3A_40 = arith.constant 0 : index
    %get3A_41 = vector.load %arg10[%get3A_39, %get3A_40] : memref<64x512xf32, #tpu.memory_space<vmem>>, vector<64x512xf32>
    %dot_general3A_42 = arith.constant dense<0.000000e+00> : vector<512x512xf32>
    %dot_general3A_43 = tpu.matmul %get3A_38, %get3A_41, %dot_general3A_42 {dimension_numbers = #tpu.dot_dimension_numbers<[1], [0], [0], [1], [0, 0, 1, 1], [], []>, transpose_lhs_hint = false} : vector<512x64xf32>, vector<64x512xf32>, vector<512x512xf32> -> vector<512x512xf32>
    %add3A_44 = arith.addf %dot_general3A_35, %dot_general3A_43 : vector<512x512xf32>
    %get3A_45 = arith.constant 0 : index
    %get3A_46 = arith.constant 0 : index
    %get3A_47 = vector.load %arg11[%get3A_45, %get3A_46] : memref<1024x512xf32, #tpu.memory_space<vmem>>, vector<1024x512xf32>
    %dot_general3A_48 = arith.constant dense<0.000000e+00> : vector<512x512xf32>
    %dot_general3A_49 = tpu.matmul %get3A_4, %get3A_47, %dot_general3A_48 {dimension_numbers = #tpu.dot_dimension_numbers<[1], [0], [0], [1], [0, 0, 1, 1], [], []>, transpose_lhs_hint = false} : vector<512x1024xf32>, vector<1024x512xf32>, vector<512x512xf32> -> vector<512x512xf32>
    %add3A_50 = arith.addf %add3A_44, %dot_general3A_49 : vector<512x512xf32>
    %get3A_51 = arith.constant 0 : index
    %get3A_52 = arith.constant 0 : index
    %get3A_53 = vector.load %arg12[%get3A_51, %get3A_52] : memref<1x512xf32, #tpu.memory_space<vmem>>, vector<1x512xf32>
    %add3A_54 = vector.broadcast %get3A_53 : vector<1x512xf32> to vector<512x512xf32>
    %add3A_55 = arith.addf %add3A_50, %add3A_54 : vector<512x512xf32>
    %max3A_56 = arith.constant 0.000000e+00 : f32
    %max3A_57 = vector.broadcast %max3A_56 : f32 to vector<512x512xf32>
    %max3A_58 = arith.maximumf %add3A_55, %max3A_57 : vector<512x512xf32>
    %get3A_59 = arith.constant 0 : index
    %get3A_60 = arith.constant 0 : index
    %get3A_61 = vector.load %arg13[%get3A_59, %get3A_60] : memref<512x256xf32, #tpu.memory_space<vmem>>, vector<512x256xf32>
    %dot_general3A_62 = arith.constant dense<0.000000e+00> : vector<512x256xf32>
    %dot_general3A_63 = tpu.matmul %max3A_58, %get3A_61, %dot_general3A_62 {dimension_numbers = #tpu.dot_dimension_numbers<[1], [0], [0], [1], [0, 0, 1, 1], [], []>, transpose_lhs_hint = false} : vector<512x512xf32>, vector<512x256xf32>, vector<512x256xf32> -> vector<512x256xf32>
    %get3A_64 = arith.constant 0 : index
    %get3A_65 = arith.constant 0 : index
    %get3A_66 = vector.load %arg14[%get3A_64, %get3A_65] : memref<1x256xf32, #tpu.memory_space<vmem>>, vector<1x256xf32>
    %add3A_67 = vector.broadcast %get3A_66 : vector<1x256xf32> to vector<512x256xf32>
    %add3A_68 = arith.addf %dot_general3A_63, %add3A_67 : vector<512x256xf32>
    %max3A_69 = arith.constant 0.000000e+00 : f32
    %max3A_70 = vector.broadcast %max3A_69 : f32 to vector<512x256xf32>
    %max3A_71 = arith.maximumf %add3A_68, %max3A_70 : vector<512x256xf32>
    %get3A_72 = arith.constant 0 : index
    %get3A_73 = arith.constant 0 : index
    %get3A_74 = vector.load %arg15[%get3A_72, %get3A_73] : memref<256x1xf32, #tpu.memory_space<vmem>>, vector<256x1xf32>
    %dot_general3A_75 = arith.constant dense<0.000000e+00> : vector<512x1xf32>
    %dot_general3A_76 = tpu.matmul %max3A_71, %get3A_74, %dot_general3A_75 {dimension_numbers = #tpu.dot_dimension_numbers<[1], [0], [0], [1], [0, 0, 1, 1], [], []>, transpose_lhs_hint = false} : vector<512x256xf32>, vector<256x1xf32>, vector<512x1xf32> -> vector<512x1xf32>
    %get3A_77 = arith.constant 0 : index
    %get3A_78 = arith.constant 0 : index
    %get3A_79 = vector.load %arg16[%get3A_77, %get3A_78] : memref<1x1xf32, #tpu.memory_space<vmem>>, vector<1x1xf32>
    %add3A_80 = vector.broadcast %get3A_79 : vector<1x1xf32> to vector<512x1xf32>
    %add3A_81 = arith.addf %dot_general3A_76, %add3A_80 : vector<512x1xf32>
    %swap3A = arith.constant 0 : index
    %swap3A_82 = arith.constant 0 : index
    %swap3A_83 = vector.load %arg19[%swap3A, %swap3A_82] : memref<512x1xf32, #tpu.memory_space<vmem>>, vector<512x1xf32>
    tpu.vector_store %arg19[%swap3A, %swap3A_82], %add3A_81 {strides = array<i32>} : memref<512x1xf32, #tpu.memory_space<vmem>>, vector<512x1xf32>,
    %swap3A_84 = arith.constant 0 : index
    %swap3A_85 = arith.constant 0 : index
    %swap3A_86 = vector.load %arg20[%swap3A_84, %swap3A_85] : memref<512x2xf32, #tpu.memory_space<vmem>>, vector<512x2xf32>
    tpu.vector_store %arg20[%swap3A_84, %swap3A_85], %add3A_30 {strides = array<i32>} : memref<512x2xf32, #tpu.memory_space<vmem>>, vector<512x2xf32>,
    %get3A_87 = arith.constant 0 : index
    %get3A_88 = arith.constant 0 : index
    %get3A_89 = vector.load %arg17[%get3A_87, %get3A_88] : memref<20x2xf32, #tpu.memory_space<vmem>>, vector<20x2xf32>
    %dot_general3A_90 = arith.constant dense<0.000000e+00> : vector<512x2xf32>
    %dot_general3A_91 = tpu.matmul %get3A_1, %get3A_89, %dot_general3A_90 {dimension_numbers = #tpu.dot_dimension_numbers<[1], [0], [0], [1], [0, 0, 1, 1], [], []>, transpose_lhs_hint = false} : vector<512x20xf32>, vector<20x2xf32>, vector<512x2xf32> -> vector<512x2xf32>
    %get3A_92 = arith.constant 0 : index
    %get3A_93 = arith.constant 0 : index
    %get3A_94 = vector.load %arg18[%get3A_92, %get3A_93] : memref<1x2xf32, #tpu.memory_space<vmem>>, vector<1x2xf32>
    %add3A_95 = vector.broadcast %get3A_94 : vector<1x2xf32> to vector<512x2xf32>
    %add3A_96 = arith.addf %dot_general3A_91, %add3A_95 : vector<512x2xf32>
    %swap3A_97 = arith.constant 0 : index
    %swap3A_98 = arith.constant 0 : index
    %swap3A_99 = vector.load %arg21[%swap3A_97, %swap3A_98] : memref<512x2xf32, #tpu.memory_space<vmem>>, vector<512x2xf32>
    tpu.vector_store %arg21[%swap3A_97, %swap3A_98], %add3A_96 {strides = array<i32>} : memref<512x2xf32, #tpu.memory_space<vmem>>, vector<512x2xf32>,
    return
  }
  func.func @transform_0(%arg0: i32) -> (i32, i32) {
    %c0_i32 = arith.constant 0 : i32
    %c0_i32_0 = arith.constant 0 : i32
    return %arg0, %c0_i32 : i32, i32
  }
  func.func @transform_1(%arg0: i32) -> (i32, i32) {
    %c0_i32 = arith.constant 0 : i32
    %c0_i32_0 = arith.constant 0 : i32
    return %arg0, %c0_i32 : i32, i32
  }
  func.func @transform_2(%arg0: i32) -> (i32, i32) {
    %c0_i32 = arith.constant 0 : i32
    %c0_i32_0 = arith.constant 0 : i32
    return %arg0, %c0_i32 : i32, i32
  }
  func.func @transform_3(%arg0: i32) -> (i32, i32) {
    %c0_i32 = arith.constant 0 : i32
    %c0_i32_0 = arith.constant 0 : i32
    %c0_i32_1 = arith.constant 0 : i32
    return %c0_i32, %c0_i32_0 : i32, i32
  }
  func.func @transform_4(%arg0: i32) -> (i32, i32) {
    %c0_i32 = arith.constant 0 : i32
    %c0_i32_0 = arith.constant 0 : i32
    %c0_i32_1 = arith.constant 0 : i32
    return %c0_i32, %c0_i32_0 : i32, i32
  }
  func.func @transform_5(%arg0: i32) -> (i32, i32) {
    %c0_i32 = arith.constant 0 : i32
    %c0_i32_0 = arith.constant 0 : i32
    %c0_i32_1 = arith.constant 0 : i32
    return %c0_i32, %c0_i32_0 : i32, i32
  }
  func.func @transform_6(%arg0: i32) -> (i32, i32) {
    %c0_i32 = arith.constant 0 : i32
    %c0_i32_0 = arith.constant 0 : i32
    %c0_i32_1 = arith.constant 0 : i32
    return %c0_i32, %c0_i32_0 : i32, i32
  }
  func.func @transform_7(%arg0: i32) -> (i32, i32) {
    %c0_i32 = arith.constant 0 : i32
    %c0_i32_0 = arith.constant 0 : i32
    %c0_i32_1 = arith.constant 0 : i32
    return %c0_i32, %c0_i32_0 : i32, i32
  }
  func.func @transform_8(%arg0: i32) -> (i32, i32) {
    %c0_i32 = arith.constant 0 : i32
    %c0_i32_0 = arith.constant 0 : i32
    %c0_i32_1 = arith.constant 0 : i32
    return %c0_i32, %c0_i32_0 : i32, i32
  }
  func.func @transform_9(%arg0: i32) -> (i32, i32) {
    %c0_i32 = arith.constant 0 : i32
    %c0_i32_0 = arith.constant 0 : i32
    %c0_i32_1 = arith.constant 0 : i32
    return %c0_i32, %c0_i32_0 : i32, i32
  }
  func.func @transform_10(%arg0: i32) -> (i32, i32) {
    %c0_i32 = arith.constant 0 : i32
    %c0_i32_0 = arith.constant 0 : i32
    %c0_i32_1 = arith.constant 0 : i32
    return %c0_i32, %c0_i32_0 : i32, i32
  }
  func.func @transform_11(%arg0: i32) -> (i32, i32) {
    %c0_i32 = arith.constant 0 : i32
    %c0_i32_0 = arith.constant 0 : i32
    %c0_i32_1 = arith.constant 0 : i32
    return %c0_i32, %c0_i32_0 : i32, i32
  }
  func.func @transform_12(%arg0: i32) -> (i32, i32) {
    %c0_i32 = arith.constant 0 : i32
    %c0_i32_0 = arith.constant 0 : i32
    %c0_i32_1 = arith.constant 0 : i32
    return %c0_i32, %c0_i32_0 : i32, i32
  }
  func.func @transform_13(%arg0: i32) -> (i32, i32) {
    %c0_i32 = arith.constant 0 : i32
    %c0_i32_0 = arith.constant 0 : i32
    %c0_i32_1 = arith.constant 0 : i32
    return %c0_i32, %c0_i32_0 : i32, i32
  }
  func.func @transform_14(%arg0: i32) -> (i32, i32) {
    %c0_i32 = arith.constant 0 : i32
    %c0_i32_0 = arith.constant 0 : i32
    %c0_i32_1 = arith.constant 0 : i32
    return %c0_i32, %c0_i32_0 : i32, i32
  }
  func.func @transform_15(%arg0: i32) -> (i32, i32) {
    %c0_i32 = arith.constant 0 : i32
    %c0_i32_0 = arith.constant 0 : i32
    %c0_i32_1 = arith.constant 0 : i32
    return %c0_i32, %c0_i32_0 : i32, i32
  }
  func.func @transform_16(%arg0: i32) -> (i32, i32) {
    %c0_i32 = arith.constant 0 : i32
    %c0_i32_0 = arith.constant 0 : i32
    %c0_i32_1 = arith.constant 0 : i32
    return %c0_i32, %c0_i32_0 : i32, i32
  }
  func.func @transform_17(%arg0: i32) -> (i32, i32) {
    %c0_i32 = arith.constant 0 : i32
    %c0_i32_0 = arith.constant 0 : i32
    %c0_i32_1 = arith.constant 0 : i32
    return %c0_i32, %c0_i32_0 : i32, i32
  }
  func.func @transform_18(%arg0: i32) -> (i32, i32) {
    %c0_i32 = arith.constant 0 : i32
    %c0_i32_0 = arith.constant 0 : i32
    return %arg0, %c0_i32 : i32, i32
  }
  func.func @transform_19(%arg0: i32) -> (i32, i32) {
    %c0_i32 = arith.constant 0 : i32
    %c0_i32_0 = arith.constant 0 : i32
    return %arg0, %c0_i32 : i32, i32
  }
  func.func @transform_20(%arg0: i32) -> (i32, i32) {
    %c0_i32 = arith.constant 0 : i32
    %c0_i32_0 = arith.constant 0 : i32
    return %arg0, %c0_i32 : i32, i32
  }
}

</mosaic_0001>

<sc_bundles>
// kernel: kernel.11.cloned.1.call-start
scs
__scs_entry_jumppad:
0x0: {  	(pc) =	sbr.rel $0x88, $3  }
0x1: {  	(tag) =	ssettag $0x0;
	lr =	simm.s32 $0x1  }
0x2: {  	[smem:$0x3F8F] =	sst lr;
	_ =	strace $0xD0000000  }
0x3: {  	_ = 	snop  }
0x4: {  	_ = 	snop  }
0x5: {  	_ = 	snop  }
0x6: {  	_ = 	snop  }
0x7: {  	_ = 	snop  }
__scs_overlays_trampoline_lowered:
0x8: {  	[smem:$0x3F9E] =	sst s0  }
0x9: {  	[smem:$0x3F9F] =	sst s1  }
0xa: {  	[smem:$0x3FA0] =	sst s2  }
0xb: {  	[smem:$0x3FA1] =	sst s3  }
0xc: {  	[smem:$0x3FA2] =	sst s4  }
0xd: {  	[smem:$0x3FA3] =	sst s5  }
0xe: {  	[smem:$0x3FA4] =	sst s6  }
0xf: {  	[smem:$0x3FA5] =	sst s7  }
0x10: {  	[smem:$0x3FA6] =	sst s8  }
0x11: {  	[smem:$0x3FA7] =	sst s9;
	s0 =	simm.s32 @!p0 $0x0  }
0x12: {  	s1 =	sld [smem:$0x3F8D];
	s0 =	simm.s32 @p0 $0x1  }
0x13: {  	[smem:$0x3FA8] =	sst s0;
	s0 =	simm.s32 @!p1 $0x0  }
0x14: {  	s2 =	sld [smem:$0x3F8C];
	s0 =	simm.s32 @p1 $0x1  }
0x15: {  	[smem:$0x3FA9] =	sst s0;
	s0 =	simm.s32 @!p2 $0x0  }
0x16: {  	s3 =	sld [smem:$0x3FDB];
	s0 =	simm.s32 @p2 $0x1  }
0x17: {  	s4 =	simm.s32 $0x1BF5;
	[smem:$0x3FAB] =	sst s0  }
0x18: {  	s0 =	sld [smem:$0x3F8E];
	_ =	swait.ge [sflag:s4], $0x0  }
0x19: {  	s7 =	sld [smem:$0x3F8F]  }
0x1a: {  	s8 =	sadd.s32 $0xFFFFE003, lr  }
0x1b: {  	s9 =	sadd.s32 $0xFFFFFEF7, lr;
	s5 =	simm.s32 $0xFFFFFFFF;
	p2 =	slt.u32 s8, $0xFFFFF086  }
0x1c: {  	p1 =	slt.u32 s9, $0xF7A;
	s5 =	simm.s32 @!p2 $0x0  }
0x1d: {  	s5 =	simm.s32 @p1 $0x1;
	p0 =	seq.s32 s7, s2  }
0x1e: {  	s7 =	smul.u32 @!p0 $0xF7A, s2;
	p2 =	seq.s32 @!p0 s5, $0x0  }
0x1f: {  	s9 =	smul.u32 $0xF7A, s1;
	s8 =	simm.s32 @!p0 $0x1BF5;
	p2 =	por !p2, p0  }
0x20: {  	[sflag:s8] =	ssyncset.s32 @!p0 $0xFFFFF086;
	s6 =	sadd.s32 @!p0 s3, s7;
	s7 =	simm.s32 @!p0 $0x108  }
0x21: {  	s3 =	sadd.s32 s3, s9;
	s6 =	sadd.s32 @!p0 $0x88, s6;
	s7 =	simm.s32 @p2 $0x1082  }
0x22: {  	[simem:s7], [sflag:s8] =	dma.local @!p0 [hbm:s6], $0xF7A  }
0x23: {  	s9 =	sor.u32 $0xD0000000, s2;
	s6 =	simm.s32 $0x108;
	_ =	swait.ge @!p0 [sflag:s8], $0x0  }
0x24: {  	s3 =	sadd.s32 $0x88, s3;
	s6 =	simm.s32 @!p1 $0x1082;
	[sflag:s4] =	ssyncset.s32 $0xFFFFF086  }
0x25: {  	[simem:s6], [sflag:s4] =	dma.local [hbm:s3], $0xF7A  }
0x26: {  	[smem:$0x3F8F] =	sst s1;
	(tag) =	ssettag s2;
	_ =	strace s9  }
0x27: {  	s1 =	sld [smem:$0x3F9F]  }
0x28: {  	s2 =	sld [smem:$0x3FA0]  }
0x29: {  	s4 =	sld [smem:$0x3FA2]  }
0x2a: {  	p0 =	seq.s32 s5, $0x0;
	s5 =	sld [smem:$0x3FA3]  }
0x2b: {  	s6 =	sld [smem:$0x3FA4]  }
0x2c: {  	s7 =	sld [smem:$0x3FA5]  }
0x2d: {  	s3 =	simm.s32 $0x108;
	s8 =	sld [smem:$0x3FA6]  }
0x2e: {  	s3 =	simm.s32 @!p0 $0x1082;
	s9 =	sld [smem:$0x3FA7]  }
0x2f: {  	lr =	sadd.s32 s0, s3;
	s0 =	sld [smem:$0x3F9E]  }
0x30: {  	s3 =	sld [smem:$0x3FA1]  }
0x31: {  	[smem:$0x3FAA] =	sst s10  }
0x32: {  	s10 =	sld [smem:$0x3FA8];
	_ =	sdelay $0x3  }
0x33: {  	p0 =	seq.s32 s10, $0x1;
	s10 =	sld [smem:$0x3FAA];
	_ =	sdelay $0x3  }
0x34: {  	[smem:$0x3FAA] =	sst s10  }
0x35: {  	s10 =	sld [smem:$0x3FA9];
	_ =	sdelay $0x3  }
0x36: {  	p1 =	seq.s32 s10, $0x1;
	s10 =	sld [smem:$0x3FAA];
	_ =	sdelay $0x3  }
0x37: {  	[smem:$0x3FAA] =	sst s10  }
0x38: {  	s10 =	sld [smem:$0x3FAB]  }
0x39: {  	_ = 	snop;
	(pc) =	sbr.ind lr, $3  }
0x3a: {  	_ = 	snop  }
0x3b: {  	_ = 	snop  }
0x3c: {  	p2 =	seq.s32 s10, $0x1;
	s10 =	sld [smem:$0x3FAA]  }
0x3d: {  	_ =	shalt  }
0x3e: {  	_ =	shalt  }
0x3f: {  	_ =	shalt  }
0x40: {  	_ =	shalt  }
0x41: {  	_ =	shalt  }
0x42: {  	_ =	shalt  }
0x43: {  	_ =	shalt  }
0x44: {  	_ =	shalt  }
0x45: {  	_ =	shalt  }
0x46: {  	_ =	shalt  }
0x47: {  	_ =	shalt  }
0x48: {  	_ =	shalt  }
0x49: {  	_ =	shalt  }
0x4a: {  	_ =	shalt  }
0x4b: {  	_ =	shalt  }
0x4c: {  	_ =	shalt  }
0x4d: {  	_ =	shalt  }
0x4e: {  	_ =	shalt  }
0x4f: {  	_ =	shalt  }
0x50: {  	_ =	shalt  }
0x51: {  	_ =	shalt  }
0x52: {  	_ =	shalt  }
0x53: {  	_ =	shalt  }
0x54: {  	_ =	shalt  }
0x55: {  	_ =	shalt  }
0x56: {  	_ =	shalt  }
0x57: {  	_ =	shalt  }
0x58: {  	_ =	shalt  }
0x59: {  	_ =	shalt  }
0x5a: {  	_ =	shalt  }
0x5b: {  	_ =	shalt  }
0x5c: {  	_ =	shalt  }
0x5d: {  	_ =	shalt  }
0x5e: {  	_ =	shalt  }
0x5f: {  	_ =	shalt  }
0x60: {  	_ =	shalt  }
0x61: {  	_ =	shalt  }
0x62: {  	_ =	shalt  }
0x63: {  	_ =	shalt  }
0x64: {  	_ =	shalt  }
0x65: {  	_ =	shalt  }
0x66: {  	_ =	shalt  }
0x67: {  	_ =	shalt  }
0x68: {  	_ =	shalt  }
0x69: {  	_ =	shalt  }
0x6a: {  	_ =	shalt  }
0x6b: {  	_ =	shalt  }
0x6c: {  	_ =	shalt  }
0x6d: {  	_ =	shalt  }
0x6e: {  	_ =	shalt  }
0x6f: {  	_ =	shalt  }
0x70: {  	_ =	shalt  }
0x71: {  	_ =	shalt  }
0x72: {  	_ =	shalt  }
0x73: {  	_ =	shalt  }
0x74: {  	_ =	shalt  }
0x75: {  	_ =	shalt  }
0x76: {  	_ =	shalt  }
0x77: {  	_ =	shalt  }
0x78: {  	_ =	shalt  }
0x79: {  	_ =	shalt  }
0x7a: {  	_ =	shalt  }
0x7b: {  	_ =	shalt  }
0x7c: {  	_ =	shalt  }
0x7d: {  	_ =	shalt  }
0x7e: {  	_ =	shalt  }
0x7f: {  	_ =	shalt  }
0x80: {  	_ =	shalt  }
0x81: {  	_ =	shalt  }
0x82: {  	_ =	shalt  }
0x83: {  	_ =	shalt  }
0x84: {  	_ =	shalt  }
0x85: {  	_ =	shalt  }
0x86: {  	_ =	shalt  }
0x87: {  	_ =	shalt  }
.Lfunc_end0:
.L_simem_size_0:
called_computation.1_lowered:
.L_overlay_start_0:
0x88: {  	s2 =	sld [smem:$0x3FD9]  }
0x89: {  	s3 =	sld [smem:$0x3FFE];
	_ =	sdelay $0x1  }
0x8a: {  	s1 =	srdreg.scid  }
0x8b: {  	s0 =	sand.u32 $0x1, s1  }
0x8c: {  	s14 =	sshll.u32 s0, $0xA;
	s2 =	sadd.s32 s3, s2  }
0x8d: {  	s2 =	sadd.s32 s2, s14  }
0x8e: {  	[smem:$0x3FB6] =	sst s2  }
0x8f: {  	_ = 	snop  }
0x90: {  	s2 =	sld [smem:$0x3FD0];
	_ =	sdelay $0x2  }
0x91: {  	s4 =	simm.s32 $0xA;
	s5 =	simm.s32 $0x10;
	s15 =	sld [smem:$0x3FC7]  }
0x92: {  	[smem:s5], [sflag:s4] =	dma.local [hbm:s2], $0x1  }
0x93: {  	_ =	swait.eq [sflag:s4], $0x1  }
0x94: {  	[sflag:s4] =	ssyncset.done $0x0  }
0x95: {  	[sflag:s4] =	ssyncadd.s32 $0xFFFFFFFF  }
0x96: {  	s16 =	sld [smem:$0x14];
	(tm) =	ssettm $0x1  }
0x97: {  	s17 =	sld [smem:$0x3FFB];
	_ =	sdelay $0x3  }
0x98: {  	_ =	strace s17  }
0x99: {  	s4 =	sld [smem:$0x3FFC];
	_ =	sdelay $0x3  }
0x9a: {  	_ =	strace s4  }
0x9b: {  	s4 =	sld [smem:$0x3FFD];
	_ =	sdelay $0x3  }
0x9c: {  	_ =	strace s4  }
0x9d: {  	_ =	strace $0x8FFFFFFF  }
0x9e: {  	s18 =	sld [smem:$0x3FDB];
	_ =	sdelay $0x1  }
0x9f: {  	s19 =	simm.s32 $_scs_section_size  }
0xa0: {  	s6 =	simm.s32 $_size__tile_overlayer_lowered;
	s7 =	simm.s32 $_tile_overlayer_lowered  }
0xa1: {  	s22 =	simm.s32 $0x1BFF;
	s21 =	sshll.u32 s7, $0x1;
	s4 =	sadd.s32 s19, s18  }
0xa2: {  	s8 =	simm.s32 $0x0;
	s20 =	sshll.u32 s6, $0x1;
	s6 =	sadd.s32 s21, s4  }
0xa3: {  	[timem:s8], [sflag:s22] =	dma.local [hbm:s6], s20  }
0xa4: {  	_ =	swait.ge [sflag:s22], s20  }
0xa5: {  	s5 =	ssub.s32 $0x0, s20;
	[sflag:s22] =	ssyncset.done $0x0  }
0xa6: {  	[sflag:s22] =	ssyncadd.s32 s5;
	_ =	sdelay $0x1  }
0xa7: {  	s23 =	simm.s32 $0x1B8B  }
0xa8: {  	_ =	swait.ge [sflag:s23], $0x1  }
0xa9: {  	[sflag:s23] =	ssyncset.done $0x0  }
0xaa: {  	s25 =	simm.s32 $0x1B8E;
	s24 =	sld [smem:$0x3FFE];
	[sflag:s23] =	ssyncadd.s32 $0xFFFFFFFF  }
0xab: {  	s26 =	simm.s32 $execute0_lowered;
	[smem:$0x3FD2] =	sst s25  }
0xac: {  	s6 =	sshll.u32 s26, $0x1;
	_ =	strace $0x80000049;
	[dreg:$0x1] =	wrdreg $0xFFFFFFFF  }
0xad: {  	s28 =	simm.s32 $_size_execute0_lowered;
	s4 =	sadd.s32 s4, s6;
	[dreg:$0x0] =	wrdreg $0x0  }
0xae: {  	s6 =	sshll.u32 s28, $0x1;
	[dreg:$0x2] =	wrdreg s4  }
0xaf: {  	[dreg:$0x3] =	wrdreg s6  }
0xb0: {  	[dreg:$0x4] =	wrdreg $0xC0  }
0xb1: {  	_ =	task [dreg:s8], $0x5FFFF  }
0xb2: {  	[dreg:$0x1] =	wrdreg $0xFFFFFFFF  }
0xb3: {  	[dreg:$0x0] =	wrdreg $0x60  }
0xb4: {  	[dreg:$0x2] =	wrdreg s15  }
0xb5: {  	[dreg:$0x3] =	wrdreg s16  }
0xb6: {  	[dreg:$0x4] =	wrdreg s24  }
0xb7: {  	[dreg:$0x5] =	wrdreg $0x9  }
0xb8: {  	_ =	task.clear_ibuf [dreg:s8], $0x6FFFF;
	_ =	strace $0x90000049  }
0xb9: {  	s29 =	simm.s32 $0x9;
	_ =	strace $0x8000004B  }
0xba: {  	_ =	swait.ge [sflag:s29], $0x1  }
0xbb: {  	[sflag:s29] =	ssyncadd.s32 $0xFFFFFFFF  }
0xbc: {  	_ =	strace $0x9000004B  }
0xbd: {  	_ =	sfence  }
0xbe: {  	s30 =	sld [smem:$0x0];
	_ =	sdelay $0x2  }
0xbf: {  	s31 =	sshll.u32 s1, $0xD;
	s1 =	sshrl.u32 s1, $0x2  }
0xc0: {  	s3 =	sand.u32 $0x4000, s31;
	s1 =	sadd.s32 s1, s30  }
0xc1: {  	s0 =	sor.u32 s3, s0;
	s1 =	sshll.u32 s1, $0x11  }
0xc2: {  	s0 =	sor.u32 s1, s0  }
0xc3: {  	s0 =	sadd.s32 $0x8F2B, s0  }
0xc4: {  	[sflag:s0] =	ssyncadd.remote.s32 $0x1  }
0xc5: {  	_ =	sfence.sel $0xFFFF  }
0xc6: {  	[dreg:$0x0] =	wrdreg $0xFFFFFFFF;
	(pc) =	sbr.abs _section_cstart, $3  }
0xc7: {  	[dreg:$0x1] =	wrdreg $0xFFFFFFFF  }
0xc8: {  	_ =	task.clear_ibuf [dreg:s8], $0x2FFFF;
	_ =	strace $0x9FFFFFFF  }
0xc9: {  	(tm) =	ssettm $0x7FFFFFFF  }
tec
execute0_lowered:
.L_overlay_start_1:
0x0: {  	(tag) =	ssettag $0x1  }
0x1: {  	s1 =	rddreg [dreg:$0x0]  }
0x2: {  	s6 =	rddreg [dreg:$0x1]  }
0x3: {  	s4 =	rddreg [dreg:$0x2]  }
0x4: {  	s0 =	rddreg [dreg:$0x3]  }
0x5: {  	s3 =	simm.s32 $0x0;
	s2 =	stileid.u32;
	s5 =	srdreg.scid  }
0x6: {  	[smem:$0x7FF] =	sst s3;
	s7 =	sshll.u32 s2, $0xF;
	s5 =	sand.u32 $0x1, s5  }
0x7: {  	s9 =	sshll.u32 s2, $0xB;
	_ =	strace $0x8000004A;
	s7 =	sadd.s32 s7, s4  }
0x8: {  	s29 =	ssub.s32 $0x2, s5;
	s10 =	sshll.u32 s5, $0xA;
	s5 =	sshll.u32 s5, $0xE  }
0x9: {  	s8 =	sshrl.u32 s29, $0x1;
	s30 =	sor.u32 s10, s9;
	s5 =	sadd.s32 s5, s7  }
0xa: {  	s7 =	simm.s32 $0x2;
	s9 =	simm.s32 $0x1;
	s10 =	simm.s32 $0x0  }
0xb: {  	s4 =	ssub.s32 s29, s8;
	s31 =	sshrl.u32 s30, $0x3;
	s5 =	sadd.s32 $0x2C00, s5  }
0xc: {  	s8 =	simm.s32 $0x80;
	s4 =	smax.u32 s4, $0x1;
	s6 =	sadd.s32 s31, s6  }
.LBB2_1:
0xd: {  	s11 =	sadd.s32 $0x0, s6  }
0xe: {  	[tilespmem:s3], [sflag:$0x2] =	stream.linear.gather [hbm4b:s11+s3], $0x80, $0x38;
	[tilespmem:$0x4080] =	vst v63  }
0xf: {  	_ =	swait.ge [sflag:s7], $0x80  }
0x10: {  	[sflag:s7] =	ssyncset.done $0x0  }
0x11: {  	[sflag:s7] =	ssyncadd.s32 $0xFFFFFF80  }
0x12: {  	[tilespmem:s8], [sflag:$0x1] =	stream.indirect.gather [hbm4b:s1+s8], $0x80, s3, s8, $0xb8;
	[tilespmem:$0x4080] =	vst v63  }
0x13: {  	_ =	swait.ge [sflag:s9], $0x4000  }
0x14: {  	[sflag:s9] =	ssyncset.done $0x0  }
0x15: {  	[sflag:s9] =	ssyncadd.s32 $0xFFFFC000  }
0x16: {  	[hbm4b:s5+s3] =	stream.linear.scatter [tilespmem:s8], [sflag:$0x2], $0x4000, $0x38;
	[tilespmem:$0x4080] =	vst v63  }
0x17: {  	s12 =	simm.s32 $0x10;
	_ =	swait.ge [sflag:s7], $0x4000  }
0x18: {  	s13 =	simm.s32 $0x20;
	s11 =	sadd.s32 $0x800, s5;
	[sflag:s7] =	ssyncset.done $0x0  }
.LBB2_2:
0x19: {  	s14 =	sadd.s32 s12, s6  }
0x1a: {  	[sflag:s7] =	ssyncadd.s32 $0xFFFFC000;
	s12 =	smov.u32 s13;
	s15 =	sadd.s32 $0x10, s13  }
0x1b: {  	[tilespmem:s3], [sflag:$0x2] =	stream.linear.gather [hbm4b:s14+s3], $0x80, $0x38;
	[tilespmem:$0x4080] =	vst v63  }
0x1c: {  	p0 =	sne.s32 s13, $0x70;
	_ =	swait.ge [sflag:s7], $0x80  }
0x1d: {  	[sflag:s7] =	ssyncset.done $0x0  }
0x1e: {  	[sflag:s7] =	ssyncadd.s32 $0xFFFFFF80  }
0x1f: {  	[tilespmem:s8], [sflag:$0x1] =	stream.indirect.gather [hbm4b:s1+s8], $0x80, s3, s8, $0xb8;
	[tilespmem:$0x4080] =	vst v63  }
0x20: {  	_ =	swait.ge [sflag:s9], $0x4000  }
.Ltmp0:
0x21: {  	[sflag:s9] =	ssyncset.done $0x0;
	(pc) =	sbr.rel @p0 .LBB2_2-.Ltmp0, $4  }
0x22: {  	[sflag:s9] =	ssyncadd.s32 $0xFFFFC000  }
0x23: {  	[hbm4b:s11+s3] =	stream.linear.scatter [tilespmem:s8], [sflag:$0x2], $0x4000, $0x38;
	[tilespmem:$0x4080] =	vst v63  }
0x24: {  	_ =	swait.ge [sflag:s7], $0x4000  }
0x25: {  	s13 =	smov.u32 s15;
	s11 =	sadd.s32 $0x800, s11;
	[sflag:s7] =	ssyncset.done $0x0  }
0x26: {  	s12 =	sadd.s32 s12, s6;
	[sflag:s7] =	ssyncadd.s32 $0xFFFFC000  }
0x27: {  	[tilespmem:s3], [sflag:$0x2] =	stream.linear.gather [hbm4b:s12+s3], $0x80, $0x38;
	[tilespmem:$0x4080] =	vst v63  }
0x28: {  	_ =	swait.ge [sflag:s7], $0x80  }
0x29: {  	[sflag:s7] =	ssyncset.done $0x0  }
0x2a: {  	[sflag:s7] =	ssyncadd.s32 $0xFFFFFF80  }
0x2b: {  	[tilespmem:s8], [sflag:$0x1] =	stream.indirect.gather [hbm4b:s1+s8], $0x80, s3, s8, $0xb8;
	[tilespmem:$0x4080] =	vst v63  }
0x2c: {  	s10 =	sadd.s32 $0x1, s10;
	_ =	swait.ge [sflag:s9], $0x4000  }
0x2d: {  	p0 =	sne.s32 s10, s4;
	[sflag:s9] =	ssyncset.done $0x0  }
.Ltmp1:
0x2e: {  	[sflag:s9] =	ssyncadd.s32 $0xFFFFC000;
	(pc) =	sbr.rel @p0 .LBB2_1-.Ltmp1, $4  }
0x2f: {  	[hbm4b:s11+s3] =	stream.linear.scatter [tilespmem:s8], [sflag:$0x2], $0x4000, $0x38;
	[tilespmem:$0x4080] =	vst v63  }
0x30: {  	_ =	swait.ge [sflag:s7], $0x4000  }
0x31: {  	[sflag:s7] =	ssyncset.done $0x0  }
0x32: {  	[sflag:s7] =	ssyncadd.s32 $0xFFFFC000  }
0x33: {  	_ =	sfence.sel $0x180000  }
0x34: {  	[bflag:$0x0] =	sbarrier.arrive $0xFFFF  }
0x35: {  	p0 =	sne.s32 s2, $0x0;
	_ =	strace $0x9000004A  }
0x36: {  	s0 =	sadd.s32 @!p0 $0x100000, s0;
	[bflag:$0x2] =	sbarrier.arrive $0xFFFF  }
0x37: {  	[sflag:s0] =	ssyncadd.tile.s32 @!p0 $0x1;
	_ =	shalt  }
.Lfunc_end2:
_tile_overlayer_lowered:
.L_overlay_start_2:
0x38: {  	(tag) =	ssettag $0x2  }
0x39: {  	s0 =	rddreg [dreg:$0x0];
	s2 =	stileid.u32  }
0x3a: {  	s1 =	rddreg [dreg:$0x1];
	p0 =	sne.s32 s2, $0x0  }
0x3b: {  	s3 =	rddreg [dreg:$0x2];
	[bflag:$0x3] =	sbarrier.arrive $0xFFFF;
	s2 =	simm.s32 @!p0 $0x1C02  }
0x3c: {  	[timem:s3], [sflag:s2] =	dma.local @!p0 [hbm:s0], s1  }
0x3d: {  	s0 =	simm.s32 @!p0 $0x2  }
0x3e: {  	_ =	swait.ge @!p0 [sflag:s0], s1  }
0x3f: {  	s1 =	ssub.s32 @!p0 $0x0, s1;
	[sflag:s0] =	ssyncset.done @!p0 $0x0  }
0x40: {  	[sflag:s0] =	ssyncadd.s32 @!p0 s1  }
0x41: {  	[bflag:$0x3] =	sbarrier.arrive $0xFFFF  }
0x42: {  	_ =	shalt  }

// kernel: kernel.8.cloned.1.call-start
scs
__scs_entry_jumppad:
0x0: {  	(pc) =	sbr.rel $0x88, $3  }
0x1: {  	(tag) =	ssettag $0x0;
	lr =	simm.s32 $0x1  }
0x2: {  	[smem:$0x3F8F] =	sst lr;
	_ =	strace $0xD0000000  }
0x3: {  	_ = 	snop  }
0x4: {  	_ = 	snop  }
0x5: {  	_ = 	snop  }
0x6: {  	_ = 	snop  }
0x7: {  	_ = 	snop  }
__scs_overlays_trampoline_lowered:
0x8: {  	[smem:$0x3F9E] =	sst s0  }
0x9: {  	[smem:$0x3F9F] =	sst s1  }
0xa: {  	[smem:$0x3FA0] =	sst s2  }
0xb: {  	[smem:$0x3FA1] =	sst s3  }
0xc: {  	[smem:$0x3FA2] =	sst s4  }
0xd: {  	[smem:$0x3FA3] =	sst s5  }
0xe: {  	[smem:$0x3FA4] =	sst s6  }
0xf: {  	[smem:$0x3FA5] =	sst s7  }
0x10: {  	[smem:$0x3FA6] =	sst s8  }
0x11: {  	[smem:$0x3FA7] =	sst s9;
	s0 =	simm.s32 @!p0 $0x0  }
0x12: {  	s1 =	sld [smem:$0x3F8D];
	s0 =	simm.s32 @p0 $0x1  }
0x13: {  	[smem:$0x3FA8] =	sst s0;
	s0 =	simm.s32 @!p1 $0x0  }
0x14: {  	s2 =	sld [smem:$0x3F8C];
	s0 =	simm.s32 @p1 $0x1  }
0x15: {  	[smem:$0x3FA9] =	sst s0;
	s0 =	simm.s32 @!p2 $0x0  }
0x16: {  	s3 =	sld [smem:$0x3FDB];
	s0 =	simm.s32 @p2 $0x1  }
0x17: {  	s4 =	simm.s32 $0x1BF5;
	[smem:$0x3FAB] =	sst s0  }
0x18: {  	s0 =	sld [smem:$0x3F8E];
	_ =	swait.ge [sflag:s4], $0x0  }
0x19: {  	s7 =	sld [smem:$0x3F8F]  }
0x1a: {  	s8 =	sadd.s32 $0xFFFFE003, lr  }
0x1b: {  	s9 =	sadd.s32 $0xFFFFFEF7, lr;
	s5 =	simm.s32 $0xFFFFFFFF;
	p2 =	slt.u32 s8, $0xFFFFF086  }
0x1c: {  	p1 =	slt.u32 s9, $0xF7A;
	s5 =	simm.s32 @!p2 $0x0  }
0x1d: {  	s5 =	simm.s32 @p1 $0x1;
	p0 =	seq.s32 s7, s2  }
0x1e: {  	s7 =	smul.u32 @!p0 $0xF7A, s2;
	p2 =	seq.s32 @!p0 s5, $0x0  }
0x1f: {  	s9 =	smul.u32 $0xF7A, s1;
	s8 =	simm.s32 @!p0 $0x1BF5;
	p2 =	por !p2, p0  }
0x20: {  	[sflag:s8] =	ssyncset.s32 @!p0 $0xFFFFF086;
	s6 =	sadd.s32 @!p0 s3, s7;
	s7 =	simm.s32 @!p0 $0x108  }
0x21: {  	s3 =	sadd.s32 s3, s9;
	s6 =	sadd.s32 @!p0 $0x88, s6;
	s7 =	simm.s32 @p2 $0x1082  }
0x22: {  	[simem:s7], [sflag:s8] =	dma.local @!p0 [hbm:s6], $0xF7A  }
0x23: {  	s9 =	sor.u32 $0xD0000000, s2;
	s6 =	simm.s32 $0x108;
	_ =	swait.ge @!p0 [sflag:s8], $0x0  }
0x24: {  	s3 =	sadd.s32 $0x88, s3;
	s6 =	simm.s32 @!p1 $0x1082;
	[sflag:s4] =	ssyncset.s32 $0xFFFFF086  }
0x25: {  	[simem:s6], [sflag:s4] =	dma.local [hbm:s3], $0xF7A  }
0x26: {  	[smem:$0x3F8F] =	sst s1;
	(tag) =	ssettag s2;
	_ =	strace s9  }
0x27: {  	s1 =	sld [smem:$0x3F9F]  }
0x28: {  	s2 =	sld [smem:$0x3FA0]  }
0x29: {  	s4 =	sld [smem:$0x3FA2]  }
0x2a: {  	p0 =	seq.s32 s5, $0x0;
	s5 =	sld [smem:$0x3FA3]  }
0x2b: {  	s6 =	sld [smem:$0x3FA4]  }
0x2c: {  	s7 =	sld [smem:$0x3FA5]  }
0x2d: {  	s3 =	simm.s32 $0x108;
	s8 =	sld [smem:$0x3FA6]  }
0x2e: {  	s3 =	simm.s32 @!p0 $0x1082;
	s9 =	sld [smem:$0x3FA7]  }
0x2f: {  	lr =	sadd.s32 s0, s3;
	s0 =	sld [smem:$0x3F9E]  }
0x30: {  	s3 =	sld [smem:$0x3FA1]  }
0x31: {  	[smem:$0x3FAA] =	sst s10  }
0x32: {  	s10 =	sld [smem:$0x3FA8];
	_ =	sdelay $0x3  }
0x33: {  	p0 =	seq.s32 s10, $0x1;
	s10 =	sld [smem:$0x3FAA];
	_ =	sdelay $0x3  }
0x34: {  	[smem:$0x3FAA] =	sst s10  }
0x35: {  	s10 =	sld [smem:$0x3FA9];
	_ =	sdelay $0x3  }
0x36: {  	p1 =	seq.s32 s10, $0x1;
	s10 =	sld [smem:$0x3FAA];
	_ =	sdelay $0x3  }
0x37: {  	[smem:$0x3FAA] =	sst s10  }
0x38: {  	s10 =	sld [smem:$0x3FAB]  }
0x39: {  	_ = 	snop;
	(pc) =	sbr.ind lr, $3  }
0x3a: {  	_ = 	snop  }
0x3b: {  	_ = 	snop  }
0x3c: {  	p2 =	seq.s32 s10, $0x1;
	s10 =	sld [smem:$0x3FAA]  }
0x3d: {  	_ =	shalt  }
0x3e: {  	_ =	shalt  }
0x3f: {  	_ =	shalt  }
0x40: {  	_ =	shalt  }
0x41: {  	_ =	shalt  }
0x42: {  	_ =	shalt  }
0x43: {  	_ =	shalt  }
0x44: {  	_ =	shalt  }
0x45: {  	_ =	shalt  }
0x46: {  	_ =	shalt  }
0x47: {  	_ =	shalt  }
0x48: {  	_ =	shalt  }
0x49: {  	_ =	shalt  }
0x4a: {  	_ =	shalt  }
0x4b: {  	_ =	shalt  }
0x4c: {  	_ =	shalt  }
0x4d: {  	_ =	shalt  }
0x4e: {  	_ =	shalt  }
0x4f: {  	_ =	shalt  }
0x50: {  	_ =	shalt  }
0x51: {  	_ =	shalt  }
0x52: {  	_ =	shalt  }
0x53: {  	_ =	shalt  }
0x54: {  	_ =	shalt  }
0x55: {  	_ =	shalt  }
0x56: {  	_ =	shalt  }
0x57: {  	_ =	shalt  }
0x58: {  	_ =	shalt  }
0x59: {  	_ =	shalt  }
0x5a: {  	_ =	shalt  }
0x5b: {  	_ =	shalt  }
0x5c: {  	_ =	shalt  }
0x5d: {  	_ =	shalt  }
0x5e: {  	_ =	shalt  }
0x5f: {  	_ =	shalt  }
0x60: {  	_ =	shalt  }
0x61: {  	_ =	shalt  }
0x62: {  	_ =	shalt  }
0x63: {  	_ =	shalt  }
0x64: {  	_ =	shalt  }
0x65: {  	_ =	shalt  }
0x66: {  	_ =	shalt  }
0x67: {  	_ =	shalt  }
0x68: {  	_ =	shalt  }
0x69: {  	_ =	shalt  }
0x6a: {  	_ =	shalt  }
0x6b: {  	_ =	shalt  }
0x6c: {  	_ =	shalt  }
0x6d: {  	_ =	shalt  }
0x6e: {  	_ =	shalt  }
0x6f: {  	_ =	shalt  }
0x70: {  	_ =	shalt  }
0x71: {  	_ =	shalt  }
0x72: {  	_ =	shalt  }
0x73: {  	_ =	shalt  }
0x74: {  	_ =	shalt  }
0x75: {  	_ =	shalt  }
0x76: {  	_ =	shalt  }
0x77: {  	_ =	shalt  }
0x78: {  	_ =	shalt  }
0x79: {  	_ =	shalt  }
0x7a: {  	_ =	shalt  }
0x7b: {  	_ =	shalt  }
0x7c: {  	_ =	shalt  }
0x7d: {  	_ =	shalt  }
0x7e: {  	_ =	shalt  }
0x7f: {  	_ =	shalt  }
0x80: {  	_ =	shalt  }
0x81: {  	_ =	shalt  }
0x82: {  	_ =	shalt  }
0x83: {  	_ =	shalt  }
0x84: {  	_ =	shalt  }
0x85: {  	_ =	shalt  }
0x86: {  	_ =	shalt  }
0x87: {  	_ =	shalt  }
.Lfunc_end0:
.L_simem_size_0:
called_computation_lowered:
.L_overlay_start_0:
0x88: {  	s2 =	sld [smem:$0x3FD9]  }
0x89: {  	s3 =	sld [smem:$0x3FFE];
	_ =	sdelay $0x1  }
0x8a: {  	s1 =	srdreg.scid  }
0x8b: {  	s0 =	sand.u32 $0x1, s1  }
0x8c: {  	s14 =	sshll.u32 s0, $0xA;
	s2 =	sadd.s32 s3, s2  }
0x8d: {  	s2 =	sadd.s32 s2, s14  }
0x8e: {  	[smem:$0x3FB6] =	sst s2  }
0x8f: {  	_ = 	snop  }
0x90: {  	s2 =	sld [smem:$0x3FD0];
	_ =	sdelay $0x2  }
0x91: {  	s15 =	simm.s32 $0xA;
	s4 =	simm.s32 $0x10  }
0x92: {  	[smem:s4], [sflag:s15] =	dma.local [hbm:s2], $0x1  }
0x93: {  	_ =	swait.eq [sflag:s15], $0x1  }
0x94: {  	[sflag:s15] =	ssyncset.done $0x0  }
0x95: {  	[sflag:s15] =	ssyncadd.s32 $0xFFFFFFFF  }
0x96: {  	s16 =	sld [smem:$0x12];
	(tm) =	ssettm $0x1  }
0x97: {  	s17 =	sld [smem:$0x3FFB];
	_ =	sdelay $0x3  }
0x98: {  	_ =	strace s17  }
0x99: {  	s3 =	sld [smem:$0x3FFC];
	_ =	sdelay $0x3  }
0x9a: {  	_ =	strace s3  }
0x9b: {  	s3 =	sld [smem:$0x3FFD];
	_ =	sdelay $0x3  }
0x9c: {  	_ =	strace s3  }
0x9d: {  	_ =	strace $0x8FFFFFFF  }
0x9e: {  	s18 =	sld [smem:$0x3FDB];
	_ =	sdelay $0x1  }
0x9f: {  	s19 =	simm.s32 $_scs_section_size  }
0xa0: {  	s5 =	simm.s32 $_size__tile_overlayer_lowered;
	s6 =	simm.s32 $_tile_overlayer_lowered  }
0xa1: {  	s22 =	simm.s32 $0x1BFF;
	s21 =	sshll.u32 s6, $0x1;
	s3 =	sadd.s32 s19, s18  }
0xa2: {  	s7 =	simm.s32 $0x0;
	s20 =	sshll.u32 s5, $0x1;
	s5 =	sadd.s32 s21, s3  }
0xa3: {  	[timem:s7], [sflag:s22] =	dma.local [hbm:s5], s20  }
0xa4: {  	_ =	swait.ge [sflag:s22], s20  }
0xa5: {  	s4 =	ssub.s32 $0x0, s20;
	[sflag:s22] =	ssyncset.done $0x0  }
0xa6: {  	[sflag:s22] =	ssyncadd.s32 s4;
	_ =	sdelay $0x1  }
0xa7: {  	s23 =	simm.s32 $0x1B8B  }
0xa8: {  	_ =	swait.ge [sflag:s23], $0x1  }
0xa9: {  	[sflag:s23] =	ssyncset.done $0x0  }
0xaa: {  	s25 =	simm.s32 $0x1B8E;
	s24 =	sld [smem:$0x3FFE];
	[sflag:s23] =	ssyncadd.s32 $0xFFFFFFFF  }
0xab: {  	s26 =	simm.s32 $execute0_lowered;
	[smem:$0x3FD2] =	sst s25  }
0xac: {  	s5 =	sshll.u32 s26, $0x1;
	_ =	strace $0x80000046;
	[dreg:$0x1] =	wrdreg $0xFFFFFFFF  }
0xad: {  	s28 =	simm.s32 $_size_execute0_lowered;
	s3 =	sadd.s32 s3, s5;
	[dreg:$0x0] =	wrdreg $0x0  }
0xae: {  	s5 =	sshll.u32 s28, $0x1;
	[dreg:$0x2] =	wrdreg s3  }
0xaf: {  	[dreg:$0x3] =	wrdreg s5  }
0xb0: {  	[dreg:$0x4] =	wrdreg $0xC0  }
0xb1: {  	_ =	task [dreg:s7], $0x5FFFF  }
0xb2: {  	[dreg:$0x1] =	wrdreg $0xFFFFFFFF  }
0xb3: {  	[dreg:$0x0] =	wrdreg $0x60  }
0xb4: {  	[dreg:$0x2] =	wrdreg s24  }
0xb5: {  	[dreg:$0x3] =	wrdreg s16  }
0xb6: {  	[dreg:$0x4] =	wrdreg $0x9  }
0xb7: {  	_ =	task.clear_ibuf [dreg:s7], $0x5FFFF;
	_ =	strace $0x90000046  }
0xb8: {  	s29 =	simm.s32 $0x9;
	_ =	strace $0x80000048  }
0xb9: {  	_ =	swait.ge [sflag:s29], $0x1  }
0xba: {  	[sflag:s29] =	ssyncadd.s32 $0xFFFFFFFF  }
0xbb: {  	_ =	strace $0x90000048  }
0xbc: {  	_ =	sfence  }
0xbd: {  	s30 =	sld [smem:$0x0];
	_ =	sdelay $0x2  }
0xbe: {  	s31 =	sshll.u32 s1, $0xD;
	s1 =	sshrl.u32 s1, $0x2  }
0xbf: {  	s3 =	sand.u32 $0x4000, s31;
	s1 =	sadd.s32 s1, s30  }
0xc0: {  	s0 =	sor.u32 s3, s0;
	s1 =	sshll.u32 s1, $0x11  }
0xc1: {  	s0 =	sor.u32 s1, s0  }
0xc2: {  	s0 =	sadd.s32 $0x8F2B, s0  }
0xc3: {  	[sflag:s0] =	ssyncadd.remote.s32 $0x1  }
0xc4: {  	_ =	sfence.sel $0xFFFF  }
0xc5: {  	[dreg:$0x0] =	wrdreg $0xFFFFFFFF;
	(pc) =	sbr.abs _section_cstart, $3  }
0xc6: {  	[dreg:$0x1] =	wrdreg $0xFFFFFFFF  }
0xc7: {  	_ =	task.clear_ibuf [dreg:s7], $0x2FFFF;
	_ =	strace $0x9FFFFFFF  }
0xc8: {  	(tm) =	ssettm $0x7FFFFFFF  }
0xc9: {  	_ =	shalt  }
tec
execute0_lowered:
.L_overlay_start_1:
0x0: {  	(tag) =	ssettag $0x1  }
0x1: {  	s4 =	rddreg [dreg:$0x0]  }
0x2: {  	s6 =	rddreg [dreg:$0x1]  }
0x3: {  	s0 =	rddreg [dreg:$0x2];
	s2 =	simm.s32 $0x0  }
0x4: {  	s1 =	stileid.u32;
	s3 =	srdreg.scid;
	s11 =	simm.s32 $0x1880  }
0x5: {  	s12 =	simm.s32 $0x2080;
	s13 =	simm.s32 $0x2880;
	s14 =	simm.s32 $0x3080  }
0x6: {  	s15 =	simm.s32 $0x3880;
	s16 =	simm.s32 $0x4080;
	s17 =	simm.s32 $0x4880  }
0x7: {  	s18 =	simm.s32 $0x5080;
	s19 =	simm.s32 $0x5880;
	s20 =	simm.s32 $0x6080  }
0x8: {  	s21 =	simm.s32 $0x6880;
	s22 =	simm.s32 $0x7080;
	s23 =	simm.s32 $0x7880  }
0x9: {  	s24 =	simm.s32 $0x1;
	s25 =	simm.s32 $0x0;
	[smem:$0x7FF] =	sst s2  }
0xa: {  	s5 =	sshll.u32 s1, $0x10;
	s7 =	sand.u32 $0x1, s3;
	s3 =	sadd.s32 $0x192C00, s4  }
0xb: {  	s9 =	sshll.u32 s1, $0xB;
	_ =	strace $0x80000047;
	s5 =	sadd.s32 s5, s4  }
0xc: {  	s29 =	ssub.s32 $0x2, s7;
	s10 =	sshll.u32 s7, $0xA;
	s7 =	sshll.u32 s7, $0xF  }
0xd: {  	s8 =	sshrl.u32 s29, $0x1;
	s30 =	sor.u32 s10, s9;
	s5 =	sadd.s32 s7, s5  }
0xe: {  	v2 =	vlaneseq.u32;
	s7 =	simm.s32 $0x2;
	s9 =	simm.s32 $0x880;
	s10 =	simm.s32 $0x1080  }
0xf: {  	vm0 =	vmmov $0xffff;
	v1 =	vshrl.u32 v2, $0x3;
	s4 =	ssub.s32 s29, s8;
	s31 =	sshrl.u32 s30, $0x3;
	s5 =	sadd.s32 $0x12C00, s5  }
0x10: {  	v0 =	vand.u32 $0x7, v2;
	v2 =	vor.u32 $0x8, v2;
	v1 =	vmul.u32 $0x8, v1;
	s8 =	simm.s32 $0x80;
	s4 =	smax.u32 s4, $0x1;
	s6 =	sadd.s32 s31, s6  }
.LBB2_1:
0x11: {  	s26 =	smov.u32 s5;
	s28 =	simm.s32 $0x0  }
.LBB2_2:
0x12: {  	s29 =	sadd.s32 s28, s6  }
0x13: {  	[tilespmem:s2], [sflag:$0x2] =	stream.linear.gather [hbm4b:s29+s2], $0x80, $0x38;
	[tilespmem:$0x8080] =	vst v63  }
0x14: {  	_ =	swait.ge [sflag:s7], $0x80  }
0x15: {  	[sflag:s7] =	ssyncset.done $0x0  }
0x16: {  	[sflag:s7] =	ssyncadd.s32 $0xFFFFFF80  }
0x17: {  	v3 =	vld [tilespmem:$0x0];
	_ =	sdelay $0x4  }
0x18: {  	v4 =	vshll.u32 v3, $0x1  }
0x19: {  	v3 =	vand.u32 $0x7, v3;
	v4 =	vand.u32 $0xFFFFFFF0, v4  }
0x1a: {  	v3 =	vor.u32 v3, v4  }
0x1b: {  	v4 =	vperm.xlane v3, v0;
	_ =	sdelay $0x1  }
0x1c: {  	v3 =	vperm.xlane v3, v2;
	v4 =	vadd.s32 v1, v4;
	_ =	sdelay $0x1  }
0x1d: {  	v3 =	vadd.s32 v1, v3;
	_ =	sdelay $0x2  }
0x1e: {  	[tilespmem:s8], [sflag:$0x1] =	stream.indirect_vreg.gather [hbm4b:s3+s2], $0x80, v4, vm0, $0xb8;
	[tilespmem:$0x8080] =	vst v63  }
0x1f: {  	_ = 	snop  }
0x20: {  	[tilespmem:s9], [sflag:$0x1] =	stream.indirect_vreg.gather [hbm4b:s3+s2], $0x80, v3, vm0, $0xb8;
	[tilespmem:$0x8080] =	vst v63  }
0x21: {  	v3 =	vld [tilespmem:$0x10];
	_ =	sdelay $0x4  }
0x22: {  	v57 =	vshll.u32 v3, $0x1  }
0x23: {  	v3 =	vand.u32 $0x7, v3;
	v4 =	vand.u32 $0xFFFFFFF0, v57  }
0x24: {  	v3 =	vor.u32 v3, v4  }
0x25: {  	v4 =	vperm.xlane v3, v0;
	_ =	sdelay $0x1  }
0x26: {  	v3 =	vperm.xlane v3, v2;
	v4 =	vadd.s32 v1, v4;
	_ =	sdelay $0x1  }
0x27: {  	v3 =	vadd.s32 v1, v3;
	_ =	sdelay $0x2  }
0x28: {  	[tilespmem:s10], [sflag:$0x1] =	stream.indirect_vreg.gather [hbm4b:s3+s2], $0x80, v4, vm0, $0xb8;
	[tilespmem:$0x8080] =	vst v63  }
0x29: {  	_ = 	snop  }
0x2a: {  	[tilespmem:s11], [sflag:$0x1] =	stream.indirect_vreg.gather [hbm4b:s3+s2], $0x80, v3, vm0, $0xb8;
	[tilespmem:$0x8080] =	vst v63  }
0x2b: {  	v3 =	vld [tilespmem:$0x20];
	_ =	sdelay $0x4  }
0x2c: {  	v58 =	vshll.u32 v3, $0x1  }
0x2d: {  	v3 =	vand.u32 $0x7, v3;
	v4 =	vand.u32 $0xFFFFFFF0, v58  }
0x2e: {  	v3 =	vor.u32 v3, v4  }
0x2f: {  	v4 =	vperm.xlane v3, v0;
	_ =	sdelay $0x1  }
0x30: {  	v3 =	vperm.xlane v3, v2;
	v4 =	vadd.s32 v1, v4;
	_ =	sdelay $0x1  }
0x31: {  	v3 =	vadd.s32 v1, v3;
	_ =	sdelay $0x2  }
0x32: {  	[tilespmem:s12], [sflag:$0x1] =	stream.indirect_vreg.gather [hbm4b:s3+s2], $0x80, v4, vm0, $0xb8;
	[tilespmem:$0x8080] =	vst v63  }
0x33: {  	_ = 	snop  }
0x34: {  	[tilespmem:s13], [sflag:$0x1] =	stream.indirect_vreg.gather [hbm4b:s3+s2], $0x80, v3, vm0, $0xb8;
	[tilespmem:$0x8080] =	vst v63  }
0x35: {  	v3 =	vld [tilespmem:$0x30];
	_ =	sdelay $0x4  }
0x36: {  	v59 =	vshll.u32 v3, $0x1  }
0x37: {  	v3 =	vand.u32 $0x7, v3;
	v4 =	vand.u32 $0xFFFFFFF0, v59  }
0x38: {  	v3 =	vor.u32 v3, v4  }
0x39: {  	v4 =	vperm.xlane v3, v0;
	_ =	sdelay $0x1  }
0x3a: {  	v3 =	vperm.xlane v3, v2;
	v4 =	vadd.s32 v1, v4;
	_ =	sdelay $0x1  }
0x3b: {  	v3 =	vadd.s32 v1, v3;
	_ =	sdelay $0x2  }
0x3c: {  	[tilespmem:s14], [sflag:$0x1] =	stream.indirect_vreg.gather [hbm4b:s3+s2], $0x80, v4, vm0, $0xb8;
	[tilespmem:$0x8080] =	vst v63  }
0x3d: {  	_ = 	snop  }
0x3e: {  	[tilespmem:s15], [sflag:$0x1] =	stream.indirect_vreg.gather [hbm4b:s3+s2], $0x80, v3, vm0, $0xb8;
	[tilespmem:$0x8080] =	vst v63  }
0x3f: {  	v3 =	vld [tilespmem:$0x40];
	_ =	sdelay $0x4  }
0x40: {  	v60 =	vshll.u32 v3, $0x1  }
0x41: {  	v3 =	vand.u32 $0x7, v3;
	v4 =	vand.u32 $0xFFFFFFF0, v60  }
0x42: {  	v3 =	vor.u32 v3, v4  }
0x43: {  	v4 =	vperm.xlane v3, v0;
	_ =	sdelay $0x1  }
0x44: {  	v3 =	vperm.xlane v3, v2;
	v4 =	vadd.s32 v1, v4;
	_ =	sdelay $0x1  }
0x45: {  	v3 =	vadd.s32 v1, v3;
	_ =	sdelay $0x2  }
0x46: {  	[tilespmem:s16], [sflag:$0x1] =	stream.indirect_vreg.gather [hbm4b:s3+s2], $0x80, v4, vm0, $0xb8;
	[tilespmem:$0x8080] =	vst v63  }
0x47: {  	_ = 	snop  }
0x48: {  	[tilespmem:s17], [sflag:$0x1] =	stream.indirect_vreg.gather [hbm4b:s3+s2], $0x80, v3, vm0, $0xb8;
	[tilespmem:$0x8080] =	vst v63  }
0x49: {  	v3 =	vld [tilespmem:$0x50];
	_ =	sdelay $0x4  }
0x4a: {  	v61 =	vshll.u32 v3, $0x1  }
0x4b: {  	v3 =	vand.u32 $0x7, v3;
	v4 =	vand.u32 $0xFFFFFFF0, v61  }
0x4c: {  	v3 =	vor.u32 v3, v4  }
0x4d: {  	v4 =	vperm.xlane v3, v0;
	_ =	sdelay $0x1  }
0x4e: {  	v3 =	vperm.xlane v3, v2;
	v4 =	vadd.s32 v1, v4;
	_ =	sdelay $0x1  }
0x4f: {  	v3 =	vadd.s32 v1, v3;
	_ =	sdelay $0x2  }
0x50: {  	[tilespmem:s18], [sflag:$0x1] =	stream.indirect_vreg.gather [hbm4b:s3+s2], $0x80, v4, vm0, $0xb8;
	[tilespmem:$0x8080] =	vst v63  }
0x51: {  	_ = 	snop  }
0x52: {  	[tilespmem:s19], [sflag:$0x1] =	stream.indirect_vreg.gather [hbm4b:s3+s2], $0x80, v3, vm0, $0xb8;
	[tilespmem:$0x8080] =	vst v63  }
0x53: {  	v3 =	vld [tilespmem:$0x60];
	_ =	sdelay $0x4  }
0x54: {  	v62 =	vshll.u32 v3, $0x1  }
0x55: {  	v3 =	vand.u32 $0x7, v3;
	v4 =	vand.u32 $0xFFFFFFF0, v62  }
0x56: {  	v3 =	vor.u32 v3, v4  }
0x57: {  	v4 =	vperm.xlane v3, v0;
	_ =	sdelay $0x1  }
0x58: {  	v3 =	vperm.xlane v3, v2;
	v4 =	vadd.s32 v1, v4;
	_ =	sdelay $0x1  }
0x59: {  	v3 =	vadd.s32 v1, v3;
	_ =	sdelay $0x2  }
0x5a: {  	[tilespmem:s20], [sflag:$0x1] =	stream.indirect_vreg.gather [hbm4b:s3+s2], $0x80, v4, vm0, $0xb8;
	[tilespmem:$0x8080] =	vst v63  }
0x5b: {  	_ = 	snop  }
0x5c: {  	[tilespmem:s21], [sflag:$0x1] =	stream.indirect_vreg.gather [hbm4b:s3+s2], $0x80, v3, vm0, $0xb8;
	[tilespmem:$0x8080] =	vst v63  }
0x5d: {  	v3 =	vld [tilespmem:$0x70];
	_ =	sdelay $0x4  }
0x5e: {  	v63 =	vshll.u32 v3, $0x1  }
0x5f: {  	v3 =	vand.u32 $0x7, v3;
	v4 =	vand.u32 $0xFFFFFFF0, v63  }
0x60: {  	v3 =	vor.u32 v3, v4  }
0x61: {  	v4 =	vperm.xlane v3, v0;
	_ =	sdelay $0x1  }
0x62: {  	v3 =	vperm.xlane v3, v2;
	v4 =	vadd.s32 v1, v4;
	_ =	sdelay $0x1  }
0x63: {  	v3 =	vadd.s32 v1, v3;
	_ =	sdelay $0x2  }
0x64: {  	[tilespmem:s22], [sflag:$0x1] =	stream.indirect_vreg.gather [hbm4b:s3+s2], $0x80, v4, vm0, $0xb8;
	[tilespmem:$0x8080] =	vst v63  }
0x65: {  	_ = 	snop  }
0x66: {  	[tilespmem:s23], [sflag:$0x1] =	stream.indirect_vreg.gather [hbm4b:s3+s2], $0x80, v3, vm0, $0xb8;
	[tilespmem:$0x8080] =	vst v63  }
0x67: {  	_ =	swait.ge [sflag:s24], $0x8000  }
0x68: {  	p0 =	sne.s32 s28, $0x70;
	[sflag:s24] =	ssyncset.done $0x0  }
.Ltmp0:
0x69: {  	[sflag:s24] =	ssyncadd.s32 $0xFFFF8000;
	(pc) =	sbr.rel @p0 .LBB2_2-.Ltmp0, $4  }
0x6a: {  	[hbm4b:s26+s2] =	stream.linear.scatter [tilespmem:s8], [sflag:$0x2], $0x8000, $0x38;
	[tilespmem:$0x8080] =	vst v63  }
0x6b: {  	_ =	swait.ge [sflag:s7], $0x8000  }
0x6c: {  	[sflag:s7] =	ssyncset.done $0x0  }
0x6d: {  	s28 =	sadd.s32 $0x10, s28;
	s26 =	sadd.s32 $0x1000, s26;
	[sflag:s7] =	ssyncadd.s32 $0xFFFF8000  }
0x6e: {  	s25 =	sadd.s32 $0x1, s25  }
0x6f: {  	p0 =	sne.s32 s25, s4  }
.Ltmp1:
0x70: {  	_ = 	snop;
	(pc) =	sbr.rel @p0 .LBB2_1-.Ltmp1, $1  }
0x71: {  	_ =	sdelay $0x3  }
0x72: {  	_ =	sfence.sel $0x180000  }
0x73: {  	[bflag:$0x0] =	sbarrier.arrive $0xFFFF  }
0x74: {  	p0 =	sne.s32 s1, $0x0;
	_ =	strace $0x90000047  }
0x75: {  	s0 =	sadd.s32 @!p0 $0x100000, s0;
	[bflag:$0x2] =	sbarrier.arrive $0xFFFF  }
0x76: {  	[sflag:s0] =	ssyncadd.tile.s32 @!p0 $0x1;
	_ =	shalt  }
.Lfunc_end2:
_tile_overlayer_lowered:
.L_overlay_start_2:
0x77: {  	(tag) =	ssettag $0x2  }
0x78: {  	s0 =	rddreg [dreg:$0x0];
	s2 =	stileid.u32  }
0x79: {  	s1 =	rddreg [dreg:$0x1];
	p0 =	sne.s32 s2, $0x0  }
0x7a: {  	s3 =	rddreg [dreg:$0x2];
	[bflag:$0x3] =	sbarrier.arrive $0xFFFF;
	s2 =	simm.s32 @!p0 $0x1C02  }
0x7b: {  	[timem:s3], [sflag:s2] =	dma.local @!p0 [hbm:s0], s1  }
0x7c: {  	s0 =	simm.s32 @!p0 $0x2  }
0x7d: {  	_ =	swait.ge @!p0 [sflag:s0], s1  }
0x7e: {  	s1 =	ssub.s32 @!p0 $0x0, s1;
	[sflag:s0] =	ssyncset.done @!p0 $0x0  }
0x7f: {  	[sflag:s0] =	ssyncadd.s32 @!p0 s1  }
0x80: {  	[bflag:$0x3] =	sbarrier.arrive $0xFFFF  }
0x81: {  	_ =	shalt  }

</sc_bundles>
